<compile_context>
chip_gen: v7x
topology: tpu7x:2x2x1
jax: 0.10.2.dev20260603
libtpu: 0.0.44.dev20260713+nightly
codegen_flags: <defaults>
</compile_context>

<pallas_src>
import functools

import jax
import jax.numpy as jnp
from jax import lax
from jax.experimental import pallas as pl
from jax.experimental.pallas import tpu as pltpu
from jax.experimental.pallas import tpu_sc as plsc

B = 16384
D = 64
H1 = 256
H2 = 128
VP = 50000

NC = 2
NS = 16
NW = NC * NS
IDX_CHUNK = 128

NCH = 2
BC = B // NCH
B_PER_W = BC // NW
N_CHUNKS = B_PER_W // IDX_CHUNK


def _sc_gather_body(pu_hbm, pi_hbm, utab_hbm, itab_hbm, out_hbm,
                    uidx_v, iidx_v, urows_v, irows_v, usem, isem, osem):
    wid = lax.axis_index("s") * NC + lax.axis_index("c")
    base = wid * B_PER_W
    pltpu.sync_copy(pu_hbm.at[pl.ds(base, B_PER_W)], uidx_v)
    pltpu.sync_copy(pi_hbm.at[pl.ds(base, B_PER_W)], iidx_v)
    out_copies = [None, None]
    for j in range(N_CHUNKS):
        s = j & 1
        if out_copies[s] is not None:
            out_copies[s][0].wait()
            out_copies[s][1].wait()
        r = pl.ds(j * IDX_CHUNK, IDX_CHUNK)
        gu = pltpu.async_copy(utab_hbm.at[uidx_v.at[r]], urows_v.at[s], usem)
        gi = pltpu.async_copy(itab_hbm.at[iidx_v.at[r]], irows_v.at[s], isem)
        gu.wait()
        gi.wait()
        rows = pl.ds(base + j * IDX_CHUNK, IDX_CHUNK)
        cu = pltpu.async_copy(
            urows_v.at[s], out_hbm.at[rows, pl.ds(0, 2 * D)], osem)
        ci = pltpu.async_copy(
            irows_v.at[s], out_hbm.at[rows, pl.ds(2 * D, 2 * D)], osem)
        out_copies[s] = (cu, ci)
    for pair in out_copies:
        if pair is not None:
            pair[0].wait()
            pair[1].wait()


_sc_gather = functools.partial(
    pl.kernel,
    out_type=jax.ShapeDtypeStruct((BC, 4 * D), jnp.float32),
    mesh=plsc.VectorSubcoreMesh(core_axis_name="c", subcore_axis_name="s"),
    scratch_types=[
        pltpu.VMEM((B_PER_W,), jnp.int32),
        pltpu.VMEM((B_PER_W,), jnp.int32),
        pltpu.VMEM((2, IDX_CHUNK, 2 * D), jnp.float32),
        pltpu.VMEM((2, IDX_CHUNK, 2 * D), jnp.float32),
        pltpu.SemaphoreType.DMA,
        pltpu.SemaphoreType.DMA,
        pltpu.SemaphoreType.DMA,
    ],
    compiler_params=pltpu.CompilerParams(use_tc_tiling_on_sc=True),
)(_sc_gather_body)


BB = 2048


def _tc_mlp_body(pairs_ref, w1ui_ref, w1d_ref, b1_ref,
                 w2_ref, b2_ref, w3_ref, b3_ref, out_ref):
    pairs = pairs_ref[...]
    u = pairs[:, :D]
    it = pairs[:, 2 * D:3 * D]
    ui = jnp.concatenate([u, it], axis=1)
    dot = jnp.sum(u * it, axis=1, keepdims=True)
    h = lax.dot_general(ui, w1ui_ref[...], (((1,), (1,)), ((), ())),
                        preferred_element_type=jnp.float32)
    h += dot * w1d_ref[...][None, :] + b1_ref[...][None, :]
    h = jnp.maximum(h, 0.0)
    h2 = lax.dot_general(h, w2_ref[...], (((1,), (1,)), ((), ())),
                         preferred_element_type=jnp.float32)
    h2 = jnp.maximum(h2 + b2_ref[...][None, :], 0.0)
    p = jnp.sum(h2 * w3_ref[...][None, :], axis=1) + b3_ref[0]
    out_ref[...] = p


def _tc_mlp(pairs, w1ui, w1d, b1, w2, b2, w3, b3):
    n = pairs.shape[0]
    grid = (n // BB,)
    return pl.pallas_call(
        _tc_mlp_body,
        grid=grid,
        in_specs=[
            pl.BlockSpec((BB, 4 * D), lambda i: (i, 0)),
            pl.BlockSpec((H1, 2 * D), lambda i: (0, 0)),
            pl.BlockSpec((H1,), lambda i: (0,)),
            pl.BlockSpec((H1,), lambda i: (0,)),
            pl.BlockSpec((H2, H1), lambda i: (0, 0)),
            pl.BlockSpec((H2,), lambda i: (0,)),
            pl.BlockSpec((H2,), lambda i: (0,)),
            pl.BlockSpec(memory_space=pltpu.SMEM),
        ],
        out_specs=pl.BlockSpec((BB,), lambda i: (i,)),
        out_shape=jax.ShapeDtypeStruct((n,), jnp.float32),
    )(pairs, w1ui, w1d, b1, w2, b2, w3, b3)


def kernel(user_id, item_id, user_table, item_table, W1, b1, W2, b2, W3, b3):
    uid = user_id.astype(jnp.int32)
    iid = item_id.astype(jnp.int32)
    utab2 = jnp.pad(user_table, ((0, 0), (0, D)))
    itab2 = jnp.pad(item_table, ((0, 0), (0, D)))
    w1ui = W1[:, :2 * D]
    w1d = W1[:, 2 * D]
    w3 = W3[0]
    outs = []
    for c in range(NCH):
        sl = slice(c * BC, (c + 1) * BC)
        uc, ic = uid[sl], iid[sl]
        pairs = _sc_gather(uc, ic, utab2, itab2)
        outs.append(_tc_mlp(pairs, w1ui, w1d, b1, W2, b2, w3, b3))
    return jnp.concatenate(outs) if NCH > 1 else outs[0]

# --- scband reference (transcript-rebuilt; emitter-appended) ---
"""Pipeline reference for scband-ranking-model-87694642250201 (READ-ONLY COPY).

The authoritative reference and input builder live on the scoring server;
editing this copy changes nothing except your own understanding.
"""

import jax, jax.numpy as jnp
import numpy as np

B = 16384
U = 100000
I = 100000
D = 64
H1 = 256
H2 = 128


def setup_inputs(seed: int = 0) -> dict:
    key = jax.random.key(seed)
    ks = jax.random.split(key, 10)
    user_id = jax.random.randint(ks[0], (B,), 0, U, dtype=jnp.int64 if jax.config.jax_enable_x64 else jnp.int32)
    item_id = jax.random.randint(ks[1], (B,), 0, I, dtype=jnp.int64 if jax.config.jax_enable_x64 else jnp.int32)
    user_table = jax.random.normal(ks[2], (U, D), dtype=jnp.float32) * 0.1
    item_table = jax.random.normal(ks[3], (I, D), dtype=jnp.float32) * 0.1
    in_dim = 2 * D + 1
    W1 = jax.random.normal(ks[4], (H1, in_dim), dtype=jnp.float32) * (1.0 / np.sqrt(in_dim))
    b1 = jnp.zeros((H1,), dtype=jnp.float32)
    W2 = jax.random.normal(ks[5], (H2, H1), dtype=jnp.float32) * (1.0 / np.sqrt(H1))
    b2 = jnp.zeros((H2,), dtype=jnp.float32)
    W3 = jax.random.normal(ks[6], (1, H2), dtype=jnp.float32) * (1.0 / np.sqrt(H2))
    b3 = jnp.zeros((1,), dtype=jnp.float32)
    return {
        "user_id": user_id,
        "item_id": item_id,
        "user_table": user_table,
        "item_table": item_table,
        "W1": W1, "b1": b1,
        "W2": W2, "b2": b2,
        "W3": W3, "b3": b3,
    }


def reference(user_id, item_id, user_table, item_table, W1, b1, W2, b2, W3, b3):
    # Embedding lookups (gather)
    user_embeds = jnp.take(user_table, user_id, axis=0)  # [B, D]
    item_embeds = jnp.take(item_table, item_id, axis=0)  # [B, D]
    # Dot product interaction
    dot_product = jnp.sum(user_embeds * item_embeds, axis=1, keepdims=True)  # [B, 1]
    concat = jnp.concatenate([user_embeds, item_embeds, dot_product], axis=1)  # [B, 2D+1]
    # MLP predictor (torch Linear: y = x @ W.T + b)
    h = jax.nn.relu(concat @ W1.T + b1)
    h = jax.nn.relu(h @ W2.T + b2)
    prediction = h @ W3.T + b3  # [B, 1]
    return jnp.squeeze(prediction, axis=-1)  # [B]

if __name__ == "__main__":
    import jax
    _d = setup_inputs()
    print(jax.jit(kernel)(*tuple(_d.values())))

</pallas_src>

<mosaic_0001>
#map = affine_map<(d0, d1) -> (0)>
#map1 = affine_map<(d0, d1) -> (0, 0)>
module attributes {stable_mosaic.version = 14 : i64} {
  func.func @_sc_gather_body(%arg0: i32, %arg1: i32, %arg2: memref<8192xi32, #tpu.memory_space<hbm>>, %arg3: memref<8192xi32, #tpu.memory_space<hbm>>, %arg4: memref<100000x128xf32, #tpu.memory_space<hbm>>, %arg5: memref<100000x128xf32, #tpu.memory_space<hbm>>, %arg6: memref<8192x256xf32, #tpu.memory_space<hbm>>, %arg7: memref<256xi32, #tpu.memory_space<vmem>>, %arg8: memref<256xi32, #tpu.memory_space<vmem>>, %arg9: memref<2x128x128xf32, #tpu.memory_space<vmem>>, %arg10: memref<2x128x128xf32, #tpu.memory_space<vmem>>, %arg11: memref<!tpu.dma_semaphore, #tpu.memory_space<semaphore_mem>>, %arg12: memref<!tpu.dma_semaphore, #tpu.memory_space<semaphore_mem>>, %arg13: memref<!tpu.dma_semaphore, #tpu.memory_space<semaphore_mem>>) attributes {dimension_semantics = [#tpu.dimension_semantics<core_parallel>, #tpu.dimension_semantics<subcore_parallel>], iteration_bounds = array<i64: 2, 16>, scalar_prefetch = 0 : i64, scratch_operands = 7 : i64, tpu.core_type = #tpu.core_type<sc_vector_subcore>, window_params = [{transform_indices = #map}, {transform_indices = #map}, {transform_indices = #map1}, {transform_indices = #map1}, {transform_indices = #map1}]} {
    %mul3A = arith.constant 2 : i32
    %mul3A_0 = arith.muli %arg1, %mul3A : i32
    %add3A = arith.addi %mul3A_0, %arg0 : i32
    %mul3A_1 = arith.constant 256 : i32
    %mul3A_2 = arith.muli %add3A, %mul3A_1 : i32
    "tpu.region"() ({
      %run_scoped3A = tpu.sem_alloc : memref<!tpu.dma_semaphore, #tpu.memory_space<semaphore_mem>>
      %dma_start3A_189 = tpu.memref_slice %arg2[%mul3A_2] : memref<8192xi32, #tpu.memory_space<hbm>> -> memref<256xi32, #tpu.memory_space<hbm>>
      %dma_start3A_190 = tpu.memref_slice %arg2[%mul3A_2] : memref<8192xi32, #tpu.memory_space<hbm>> -> memref<256xi32, #tpu.memory_space<hbm>>
      tpu.enqueue_dma source(%dma_start3A_190 : memref<256xi32, #tpu.memory_space<hbm>>) target(%arg7 : memref<256xi32, #tpu.memory_space<vmem>>) target_semaphore(%run_scoped3A : memref<!tpu.dma_semaphore, #tpu.memory_space<semaphore_mem>>)
      %dma_wait3A_191 = tpu.memref_slice %arg2[%mul3A_2] : memref<8192xi32, #tpu.memory_space<hbm>> -> memref<256xi32, #tpu.memory_space<hbm>>
      %dma_wait3A_192 = tpu.memref_slice %arg2[%mul3A_2] : memref<8192xi32, #tpu.memory_space<hbm>> -> memref<256xi32, #tpu.memory_space<hbm>>
      tpu.wait_dma2 semaphore(%run_scoped3A : memref<!tpu.dma_semaphore, #tpu.memory_space<semaphore_mem>>) src(%dma_wait3A_192 : memref<256xi32, #tpu.memory_space<hbm>>) dst(%arg7 : memref<256xi32, #tpu.memory_space<vmem>>)
      tpu.yield
    }) : () -> ()
    "tpu.region"() ({
      %run_scoped3A = tpu.sem_alloc : memref<!tpu.dma_semaphore, #tpu.memory_space<semaphore_mem>>
      %dma_start3A_189 = tpu.memref_slice %arg3[%mul3A_2] : memref<8192xi32, #tpu.memory_space<hbm>> -> memref<256xi32, #tpu.memory_space<hbm>>
      %dma_start3A_190 = tpu.memref_slice %arg3[%mul3A_2] : memref<8192xi32, #tpu.memory_space<hbm>> -> memref<256xi32, #tpu.memory_space<hbm>>
      tpu.enqueue_dma source(%dma_start3A_190 : memref<256xi32, #tpu.memory_space<hbm>>) target(%arg8 : memref<256xi32, #tpu.memory_space<vmem>>) target_semaphore(%run_scoped3A : memref<!tpu.dma_semaphore, #tpu.memory_space<semaphore_mem>>)
      %dma_wait3A_191 = tpu.memref_slice %arg3[%mul3A_2] : memref<8192xi32, #tpu.memory_space<hbm>> -> memref<256xi32, #tpu.memory_space<hbm>>
      %dma_wait3A_192 = tpu.memref_slice %arg3[%mul3A_2] : memref<8192xi32, #tpu.memory_space<hbm>> -> memref<256xi32, #tpu.memory_space<hbm>>
      tpu.wait_dma2 semaphore(%run_scoped3A : memref<!tpu.dma_semaphore, #tpu.memory_space<semaphore_mem>>) src(%dma_wait3A_192 : memref<256xi32, #tpu.memory_space<hbm>>) dst(%arg8 : memref<256xi32, #tpu.memory_space<vmem>>)
      tpu.yield
    }) : () -> ()
    %dma_start3A = arith.constant 0 : i32
    %dma_start3A_3 = arith.constant 0 : i32
    %dma_start3A_4 = arith.constant 0 : i32
    %dma_start3A_5 = tpu.memref_slice %arg9[%dma_start3A, %dma_start3A_3, %dma_start3A_4] : memref<2x128x128xf32, #tpu.memory_space<vmem>> -> memref<1x128x128xf32, #tpu.memory_space<vmem>>
    %dma_start3A_6 = tpu.memref_squeeze %dma_start3A_5 : memref<1x128x128xf32, #tpu.memory_space<vmem>> -> memref<128x128xf32, #tpu.memory_space<vmem>>
    %dma_start3A_7 = arith.constant 0 : i32
    %dma_start3A_8 = tpu.memref_slice %arg7[%dma_start3A_7] : memref<256xi32, #tpu.memory_space<vmem>> -> memref<128xi32, #tpu.memory_space<vmem>>
    %dma_start3A_9 = arith.constant 0 : i32
    %dma_start3A_10 = arith.constant 0 : i32
    %dma_start3A_11 = tpu.memref_slice %arg4[%dma_start3A_9, %dma_start3A_10] : memref<100000x128xf32, #tpu.memory_space<hbm>> -> memref<100000x128xf32, #tpu.memory_space<hbm>>
    tpu.enqueue_indirect_dma source(%dma_start3A_11 : memref<100000x128xf32, #tpu.memory_space<hbm>>) target(%dma_start3A_6 : memref<128x128xf32, #tpu.memory_space<vmem>>) offsets(%dma_start3A_8 : memref<128xi32, #tpu.memory_space<vmem>>) semaphore(%arg11 : memref<!tpu.dma_semaphore, #tpu.memory_space<semaphore_mem>>)
    %dma_start3A_12 = arith.constant 0 : i32
    %dma_start3A_13 = arith.constant 0 : i32
    %dma_start3A_14 = arith.constant 0 : i32
    %dma_start3A_15 = tpu.memref_slice %arg10[%dma_start3A_12, %dma_start3A_13, %dma_start3A_14] : memref<2x128x128xf32, #tpu.memory_space<vmem>> -> memref<1x128x128xf32, #tpu.memory_space<vmem>>
    %dma_start3A_16 = tpu.memref_squeeze %dma_start3A_15 : memref<1x128x128xf32, #tpu.memory_space<vmem>> -> memref<128x128xf32, #tpu.memory_space<vmem>>
    %dma_start3A_17 = arith.constant 0 : i32
    %dma_start3A_18 = tpu.memref_slice %arg8[%dma_start3A_17] : memref<256xi32, #tpu.memory_space<vmem>> -> memref<128xi32, #tpu.memory_space<vmem>>
    %dma_start3A_19 = arith.constant 0 : i32
    %dma_start3A_20 = arith.constant 0 : i32
    %dma_start3A_21 = tpu.memref_slice %arg5[%dma_start3A_19, %dma_start3A_20] : memref<100000x128xf32, #tpu.memory_space<hbm>> -> memref<100000x128xf32, #tpu.memory_space<hbm>>
    tpu.enqueue_indirect_dma source(%dma_start3A_21 : memref<100000x128xf32, #tpu.memory_space<hbm>>) target(%dma_start3A_16 : memref<128x128xf32, #tpu.memory_space<vmem>>) offsets(%dma_start3A_18 : memref<128xi32, #tpu.memory_space<vmem>>) semaphore(%arg12 : memref<!tpu.dma_semaphore, #tpu.memory_space<semaphore_mem>>)
    %dma_wait3A = arith.constant 0 : i32
    %dma_wait3A_22 = arith.constant 0 : i32
    %dma_wait3A_23 = arith.constant 0 : i32
    %dma_wait3A_24 = tpu.memref_slice %arg9[%dma_wait3A, %dma_wait3A_22, %dma_wait3A_23] : memref<2x128x128xf32, #tpu.memory_space<vmem>> -> memref<1x128x128xf32, #tpu.memory_space<vmem>>
    %dma_wait3A_25 = tpu.memref_squeeze %dma_wait3A_24 : memref<1x128x128xf32, #tpu.memory_space<vmem>> -> memref<128x128xf32, #tpu.memory_space<vmem>>
    %dma_wait3A_26 = arith.constant 0 : i32
    %dma_wait3A_27 = tpu.memref_slice %arg7[%dma_wait3A_26] : memref<256xi32, #tpu.memory_space<vmem>> -> memref<128xi32, #tpu.memory_space<vmem>>
    %dma_wait3A_28 = arith.constant 0 : i32
    %dma_wait3A_29 = arith.constant 0 : i32
    %dma_wait3A_30 = tpu.memref_slice %arg4[%dma_wait3A_28, %dma_wait3A_29] : memref<100000x128xf32, #tpu.memory_space<hbm>> -> memref<100000x128xf32, #tpu.memory_space<hbm>>
    tpu.wait_indirect_dma semaphore(%arg11 : memref<!tpu.dma_semaphore, #tpu.memory_space<semaphore_mem>>) src(%dma_wait3A_30 : memref<100000x128xf32, #tpu.memory_space<hbm>>) dst(%dma_wait3A_25 : memref<128x128xf32, #tpu.memory_space<vmem>>)
    %dma_wait3A_31 = arith.constant 0 : i32
    %dma_wait3A_32 = arith.constant 0 : i32
    %dma_wait3A_33 = arith.constant 0 : i32
    %dma_wait3A_34 = tpu.memref_slice %arg10[%dma_wait3A_31, %dma_wait3A_32, %dma_wait3A_33] : memref<2x128x128xf32, #tpu.memory_space<vmem>> -> memref<1x128x128xf32, #tpu.memory_space<vmem>>
    %dma_wait3A_35 = tpu.memref_squeeze %dma_wait3A_34 : memref<1x128x128xf32, #tpu.memory_space<vmem>> -> memref<128x128xf32, #tpu.memory_space<vmem>>
    %dma_wait3A_36 = arith.constant 0 : i32
    %dma_wait3A_37 = tpu.memref_slice %arg8[%dma_wait3A_36] : memref<256xi32, #tpu.memory_space<vmem>> -> memref<128xi32, #tpu.memory_space<vmem>>
    %dma_wait3A_38 = arith.constant 0 : i32
    %dma_wait3A_39 = arith.constant 0 : i32
    %dma_wait3A_40 = tpu.memref_slice %arg5[%dma_wait3A_38, %dma_wait3A_39] : memref<100000x128xf32, #tpu.memory_space<hbm>> -> memref<100000x128xf32, #tpu.memory_space<hbm>>
    tpu.wait_indirect_dma semaphore(%arg12 : memref<!tpu.dma_semaphore, #tpu.memory_space<semaphore_mem>>) src(%dma_wait3A_40 : memref<100000x128xf32, #tpu.memory_space<hbm>>) dst(%dma_wait3A_35 : memref<128x128xf32, #tpu.memory_space<vmem>>)
    %add3A_41 = arith.constant 0 : i32
    %add3A_42 = arith.addi %mul3A_2, %add3A_41 : i32
    %dma_start3A_43 = arith.constant 0 : i32
    %dma_start3A_44 = arith.constant 0 : i32
    %dma_start3A_45 = arith.constant 0 : i32
    %dma_start3A_46 = tpu.memref_slice %arg9[%dma_start3A_43, %dma_start3A_44, %dma_start3A_45] : memref<2x128x128xf32, #tpu.memory_space<vmem>> -> memref<1x128x128xf32, #tpu.memory_space<vmem>>
    %dma_start3A_47 = tpu.memref_squeeze %dma_start3A_46 : memref<1x128x128xf32, #tpu.memory_space<vmem>> -> memref<128x128xf32, #tpu.memory_space<vmem>>
    %dma_start3A_48 = arith.constant 0 : i32
    %dma_start3A_49 = tpu.memref_slice %arg6[%add3A_42, %dma_start3A_48] : memref<8192x256xf32, #tpu.memory_space<hbm>> -> memref<128x128xf32, #tpu.memory_space<hbm>>
    %dma_start3A_50 = arith.constant 0 : i32
    %dma_start3A_51 = tpu.memref_slice %arg6[%add3A_42, %dma_start3A_50] : memref<8192x256xf32, #tpu.memory_space<hbm>> -> memref<128x128xf32, #tpu.memory_space<hbm>>
    %dma_start3A_52 = arith.constant 0 : i32
    %dma_start3A_53 = arith.constant 0 : i32
    %dma_start3A_54 = tpu.memref_slice %arg9[%dma_start3A_43, %dma_start3A_52, %dma_start3A_53] : memref<2x128x128xf32, #tpu.memory_space<vmem>> -> memref<1x128x128xf32, #tpu.memory_space<vmem>>
    %dma_start3A_55 = tpu.memref_squeeze %dma_start3A_54 : memref<1x128x128xf32, #tpu.memory_space<vmem>> -> memref<128x128xf32, #tpu.memory_space<vmem>>
    tpu.enqueue_dma source(%dma_start3A_55 : memref<128x128xf32, #tpu.memory_space<vmem>>) target(%dma_start3A_51 : memref<128x128xf32, #tpu.memory_space<hbm>>) target_semaphore(%arg13 : memref<!tpu.dma_semaphore, #tpu.memory_space<semaphore_mem>>)
    %dma_start3A_56 = arith.constant 0 : i32
    %dma_start3A_57 = arith.constant 0 : i32
    %dma_start3A_58 = arith.constant 0 : i32
    %dma_start3A_59 = tpu.memref_slice %arg10[%dma_start3A_56, %dma_start3A_57, %dma_start3A_58] : memref<2x128x128xf32, #tpu.memory_space<vmem>> -> memref<1x128x128xf32, #tpu.memory_space<vmem>>
    %dma_start3A_60 = tpu.memref_squeeze %dma_start3A_59 : memref<1x128x128xf32, #tpu.memory_space<vmem>> -> memref<128x128xf32, #tpu.memory_space<vmem>>
    %dma_start3A_61 = arith.constant 128 : i32
    %dma_start3A_62 = tpu.memref_slice %arg6[%add3A_42, %dma_start3A_61] : memref<8192x256xf32, #tpu.memory_space<hbm>> -> memref<128x128xf32, #tpu.memory_space<hbm>>
    %dma_start3A_63 = arith.constant 128 : i32
    %dma_start3A_64 = tpu.memref_slice %arg6[%add3A_42, %dma_start3A_63] : memref<8192x256xf32, #tpu.memory_space<hbm>> -> memref<128x128xf32, #tpu.memory_space<hbm>>
    %dma_start3A_65 = arith.constant 0 : i32
    %dma_start3A_66 = arith.constant 0 : i32
    %dma_start3A_67 = tpu.memref_slice %arg10[%dma_start3A_56, %dma_start3A_65, %dma_start3A_66] : memref<2x128x128xf32, #tpu.memory_space<vmem>> -> memref<1x128x128xf32, #tpu.memory_space<vmem>>
    %dma_start3A_68 = tpu.memref_squeeze %dma_start3A_67 : memref<1x128x128xf32, #tpu.memory_space<vmem>> -> memref<128x128xf32, #tpu.memory_space<vmem>>
    tpu.enqueue_dma source(%dma_start3A_68 : memref<128x128xf32, #tpu.memory_space<vmem>>) target(%dma_start3A_64 : memref<128x128xf32, #tpu.memory_space<hbm>>) target_semaphore(%arg13 : memref<!tpu.dma_semaphore, #tpu.memory_space<semaphore_mem>>)
    %dma_start3A_69 = arith.constant 1 : i32
    %dma_start3A_70 = arith.constant 0 : i32
    %dma_start3A_71 = arith.constant 0 : i32
    %dma_start3A_72 = tpu.memref_slice %arg9[%dma_start3A_69, %dma_start3A_70, %dma_start3A_71] : memref<2x128x128xf32, #tpu.memory_space<vmem>> -> memref<1x128x128xf32, #tpu.memory_space<vmem>>
    %dma_start3A_73 = tpu.memref_squeeze %dma_start3A_72 : memref<1x128x128xf32, #tpu.memory_space<vmem>> -> memref<128x128xf32, #tpu.memory_space<vmem>>
    %dma_start3A_74 = arith.constant 128 : i32
    %dma_start3A_75 = tpu.memref_slice %arg7[%dma_start3A_74] : memref<256xi32, #tpu.memory_space<vmem>> -> memref<128xi32, #tpu.memory_space<vmem>>
    %dma_start3A_76 = arith.constant 0 : i32
    %dma_start3A_77 = arith.constant 0 : i32
    %dma_start3A_78 = tpu.memref_slice %arg4[%dma_start3A_76, %dma_start3A_77] : memref<100000x128xf32, #tpu.memory_space<hbm>> -> memref<100000x128xf32, #tpu.memory_space<hbm>>
    tpu.enqueue_indirect_dma source(%dma_start3A_78 : memref<100000x128xf32, #tpu.memory_space<hbm>>) target(%dma_start3A_73 : memref<128x128xf32, #tpu.memory_space<vmem>>) offsets(%dma_start3A_75 : memref<128xi32, #tpu.memory_space<vmem>>) semaphore(%arg11 : memref<!tpu.dma_semaphore, #tpu.memory_space<semaphore_mem>>)
    %dma_start3A_79 = arith.constant 1 : i32
    %dma_start3A_80 = arith.constant 0 : i32
    %dma_start3A_81 = arith.constant 0 : i32
    %dma_start3A_82 = tpu.memref_slice %arg10[%dma_start3A_79, %dma_start3A_80, %dma_start3A_81] : memref<2x128x128xf32, #tpu.memory_space<vmem>> -> memref<1x128x128xf32, #tpu.memory_space<vmem>>
    %dma_start3A_83 = tpu.memref_squeeze %dma_start3A_82 : memref<1x128x128xf32, #tpu.memory_space<vmem>> -> memref<128x128xf32, #tpu.memory_space<vmem>>
    %dma_start3A_84 = arith.constant 128 : i32
    %dma_start3A_85 = tpu.memref_slice %arg8[%dma_start3A_84] : memref<256xi32, #tpu.memory_space<vmem>> -> memref<128xi32, #tpu.memory_space<vmem>>
    %dma_start3A_86 = arith.constant 0 : i32
    %dma_start3A_87 = arith.constant 0 : i32
    %dma_start3A_88 = tpu.memref_slice %arg5[%dma_start3A_86, %dma_start3A_87] : memref<100000x128xf32, #tpu.memory_space<hbm>> -> memref<100000x128xf32, #tpu.memory_space<hbm>>
    tpu.enqueue_indirect_dma source(%dma_start3A_88 : memref<100000x128xf32, #tpu.memory_space<hbm>>) target(%dma_start3A_83 : memref<128x128xf32, #tpu.memory_space<vmem>>) offsets(%dma_start3A_85 : memref<128xi32, #tpu.memory_space<vmem>>) semaphore(%arg12 : memref<!tpu.dma_semaphore, #tpu.memory_space<semaphore_mem>>)
    %dma_wait3A_89 = arith.constant 1 : i32
    %dma_wait3A_90 = arith.constant 0 : i32
    %dma_wait3A_91 = arith.constant 0 : i32
    %dma_wait3A_92 = tpu.memref_slice %arg9[%dma_wait3A_89, %dma_wait3A_90, %dma_wait3A_91] : memref<2x128x128xf32, #tpu.memory_space<vmem>> -> memref<1x128x128xf32, #tpu.memory_space<vmem>>
    %dma_wait3A_93 = tpu.memref_squeeze %dma_wait3A_92 : memref<1x128x128xf32, #tpu.memory_space<vmem>> -> memref<128x128xf32, #tpu.memory_space<vmem>>
    %dma_wait3A_94 = arith.constant 128 : i32
    %dma_wait3A_95 = tpu.memref_slice %arg7[%dma_wait3A_94] : memref<256xi32, #tpu.memory_space<vmem>> -> memref<128xi32, #tpu.memory_space<vmem>>
    %dma_wait3A_96 = arith.constant 0 : i32
    %dma_wait3A_97 = arith.constant 0 : i32
    %dma_wait3A_98 = tpu.memref_slice %arg4[%dma_wait3A_96, %dma_wait3A_97] : memref<100000x128xf32, #tpu.memory_space<hbm>> -> memref<100000x128xf32, #tpu.memory_space<hbm>>
    tpu.wait_indirect_dma semaphore(%arg11 : memref<!tpu.dma_semaphore, #tpu.memory_space<semaphore_mem>>) src(%dma_wait3A_98 : memref<100000x128xf32, #tpu.memory_space<hbm>>) dst(%dma_wait3A_93 : memref<128x128xf32, #tpu.memory_space<vmem>>)
    %dma_wait3A_99 = arith.constant 1 : i32
    %dma_wait3A_100 = arith.constant 0 : i32
    %dma_wait3A_101 = arith.constant 0 : i32
    %dma_wait3A_102 = tpu.memref_slice %arg10[%dma_wait3A_99, %dma_wait3A_100, %dma_wait3A_101] : memref<2x128x128xf32, #tpu.memory_space<vmem>> -> memref<1x128x128xf32, #tpu.memory_space<vmem>>
    %dma_wait3A_103 = tpu.memref_squeeze %dma_wait3A_102 : memref<1x128x128xf32, #tpu.memory_space<vmem>> -> memref<128x128xf32, #tpu.memory_space<vmem>>
    %dma_wait3A_104 = arith.constant 128 : i32
    %dma_wait3A_105 = tpu.memref_slice %arg8[%dma_wait3A_104] : memref<256xi32, #tpu.memory_space<vmem>> -> memref<128xi32, #tpu.memory_space<vmem>>
    %dma_wait3A_106 = arith.constant 0 : i32
    %dma_wait3A_107 = arith.constant 0 : i32
    %dma_wait3A_108 = tpu.memref_slice %arg5[%dma_wait3A_106, %dma_wait3A_107] : memref<100000x128xf32, #tpu.memory_space<hbm>> -> memref<100000x128xf32, #tpu.memory_space<hbm>>
    tpu.wait_indirect_dma semaphore(%arg12 : memref<!tpu.dma_semaphore, #tpu.memory_space<semaphore_mem>>) src(%dma_wait3A_108 : memref<100000x128xf32, #tpu.memory_space<hbm>>) dst(%dma_wait3A_103 : memref<128x128xf32, #tpu.memory_space<vmem>>)
    %add3A_109 = arith.constant 128 : i32
    %add3A_110 = arith.addi %mul3A_2, %add3A_109 : i32
    %dma_start3A_111 = arith.constant 1 : i32
    %dma_start3A_112 = arith.constant 0 : i32
    %dma_start3A_113 = arith.constant 0 : i32
    %dma_start3A_114 = tpu.memref_slice %arg9[%dma_start3A_111, %dma_start3A_112, %dma_start3A_113] : memref<2x128x128xf32, #tpu.memory_space<vmem>> -> memref<1x128x128xf32, #tpu.memory_space<vmem>>
    %dma_start3A_115 = tpu.memref_squeeze %dma_start3A_114 : memref<1x128x128xf32, #tpu.memory_space<vmem>> -> memref<128x128xf32, #tpu.memory_space<vmem>>
    %dma_start3A_116 = arith.constant 0 : i32
    %dma_start3A_117 = tpu.memref_slice %arg6[%add3A_110, %dma_start3A_116] : memref<8192x256xf32, #tpu.memory_space<hbm>> -> memref<128x128xf32, #tpu.memory_space<hbm>>
    %dma_start3A_118 = arith.constant 0 : i32
    %dma_start3A_119 = tpu.memref_slice %arg6[%add3A_110, %dma_start3A_118] : memref<8192x256xf32, #tpu.memory_space<hbm>> -> memref<128x128xf32, #tpu.memory_space<hbm>>
    %dma_start3A_120 = arith.constant 0 : i32
    %dma_start3A_121 = arith.constant 0 : i32
    %dma_start3A_122 = tpu.memref_slice %arg9[%dma_start3A_111, %dma_start3A_120, %dma_start3A_121] : memref<2x128x128xf32, #tpu.memory_space<vmem>> -> memref<1x128x128xf32, #tpu.memory_space<vmem>>
    %dma_start3A_123 = tpu.memref_squeeze %dma_start3A_122 : memref<1x128x128xf32, #tpu.memory_space<vmem>> -> memref<128x128xf32, #tpu.memory_space<vmem>>
    tpu.enqueue_dma source(%dma_start3A_123 : memref<128x128xf32, #tpu.memory_space<vmem>>) target(%dma_start3A_119 : memref<128x128xf32, #tpu.memory_space<hbm>>) target_semaphore(%arg13 : memref<!tpu.dma_semaphore, #tpu.memory_space<semaphore_mem>>)
    %dma_start3A_124 = arith.constant 1 : i32
    %dma_start3A_125 = arith.constant 0 : i32
    %dma_start3A_126 = arith.constant 0 : i32
    %dma_start3A_127 = tpu.memref_slice %arg10[%dma_start3A_124, %dma_start3A_125, %dma_start3A_126] : memref<2x128x128xf32, #tpu.memory_space<vmem>> -> memref<1x128x128xf32, #tpu.memory_space<vmem>>
    %dma_start3A_128 = tpu.memref_squeeze %dma_start3A_127 : memref<1x128x128xf32, #tpu.memory_space<vmem>> -> memref<128x128xf32, #tpu.memory_space<vmem>>
    %dma_start3A_129 = arith.constant 128 : i32
    %dma_start3A_130 = tpu.memref_slice %arg6[%add3A_110, %dma_start3A_129] : memref<8192x256xf32, #tpu.memory_space<hbm>> -> memref<128x128xf32, #tpu.memory_space<hbm>>
    %dma_start3A_131 = arith.constant 128 : i32
    %dma_start3A_132 = tpu.memref_slice %arg6[%add3A_110, %dma_start3A_131] : memref<8192x256xf32, #tpu.memory_space<hbm>> -> memref<128x128xf32, #tpu.memory_space<hbm>>
    %dma_start3A_133 = arith.constant 0 : i32
    %dma_start3A_134 = arith.constant 0 : i32
    %dma_start3A_135 = tpu.memref_slice %arg10[%dma_start3A_124, %dma_start3A_133, %dma_start3A_134] : memref<2x128x128xf32, #tpu.memory_space<vmem>> -> memref<1x128x128xf32, #tpu.memory_space<vmem>>
    %dma_start3A_136 = tpu.memref_squeeze %dma_start3A_135 : memref<1x128x128xf32, #tpu.memory_space<vmem>> -> memref<128x128xf32, #tpu.memory_space<vmem>>
    tpu.enqueue_dma source(%dma_start3A_136 : memref<128x128xf32, #tpu.memory_space<vmem>>) target(%dma_start3A_132 : memref<128x128xf32, #tpu.memory_space<hbm>>) target_semaphore(%arg13 : memref<!tpu.dma_semaphore, #tpu.memory_space<semaphore_mem>>)
    %dma_wait3A_137 = arith.constant 0 : i32
    %dma_wait3A_138 = arith.constant 0 : i32
    %dma_wait3A_139 = arith.constant 0 : i32
    %dma_wait3A_140 = tpu.memref_slice %arg9[%dma_wait3A_137, %dma_wait3A_138, %dma_wait3A_139] : memref<2x128x128xf32, #tpu.memory_space<vmem>> -> memref<1x128x128xf32, #tpu.memory_space<vmem>>
    %dma_wait3A_141 = tpu.memref_squeeze %dma_wait3A_140 : memref<1x128x128xf32, #tpu.memory_space<vmem>> -> memref<128x128xf32, #tpu.memory_space<vmem>>
    %dma_wait3A_142 = arith.constant 0 : i32
    %dma_wait3A_143 = tpu.memref_slice %arg6[%add3A_42, %dma_wait3A_142] : memref<8192x256xf32, #tpu.memory_space<hbm>> -> memref<128x128xf32, #tpu.memory_space<hbm>>
    %dma_wait3A_144 = arith.constant 0 : i32
    %dma_wait3A_145 = tpu.memref_slice %arg6[%add3A_42, %dma_wait3A_144] : memref<8192x256xf32, #tpu.memory_space<hbm>> -> memref<128x128xf32, #tpu.memory_space<hbm>>
    %dma_wait3A_146 = arith.constant 0 : i32
    %dma_wait3A_147 = arith.constant 0 : i32
    %dma_wait3A_148 = tpu.memref_slice %arg9[%dma_wait3A_137, %dma_wait3A_146, %dma_wait3A_147] : memref<2x128x128xf32, #tpu.memory_space<vmem>> -> memref<1x128x128xf32, #tpu.memory_space<vmem>>
    %dma_wait3A_149 = tpu.memref_squeeze %dma_wait3A_148 : memref<1x128x128xf32, #tpu.memory_space<vmem>> -> memref<128x128xf32, #tpu.memory_space<vmem>>
    tpu.wait_dma2 semaphore(%arg13 : memref<!tpu.dma_semaphore, #tpu.memory_space<semaphore_mem>>) src(%dma_wait3A_149 : memref<128x128xf32, #tpu.memory_space<vmem>>) dst(%dma_wait3A_145 : memref<128x128xf32, #tpu.memory_space<hbm>>)
    %dma_wait3A_150 = arith.constant 0 : i32
    %dma_wait3A_151 = arith.constant 0 : i32
    %dma_wait3A_152 = arith.constant 0 : i32
    %dma_wait3A_153 = tpu.memref_slice %arg10[%dma_wait3A_150, %dma_wait3A_151, %dma_wait3A_152] : memref<2x128x128xf32, #tpu.memory_space<vmem>> -> memref<1x128x128xf32, #tpu.memory_space<vmem>>
    %dma_wait3A_154 = tpu.memref_squeeze %dma_wait3A_153 : memref<1x128x128xf32, #tpu.memory_space<vmem>> -> memref<128x128xf32, #tpu.memory_space<vmem>>
    %dma_wait3A_155 = arith.constant 128 : i32
    %dma_wait3A_156 = tpu.memref_slice %arg6[%add3A_42, %dma_wait3A_155] : memref<8192x256xf32, #tpu.memory_space<hbm>> -> memref<128x128xf32, #tpu.memory_space<hbm>>
    %dma_wait3A_157 = arith.constant 128 : i32
    %dma_wait3A_158 = tpu.memref_slice %arg6[%add3A_42, %dma_wait3A_157] : memref<8192x256xf32, #tpu.memory_space<hbm>> -> memref<128x128xf32, #tpu.memory_space<hbm>>
    %dma_wait3A_159 = arith.constant 0 : i32
    %dma_wait3A_160 = arith.constant 0 : i32
    %dma_wait3A_161 = tpu.memref_slice %arg10[%dma_wait3A_150, %dma_wait3A_159, %dma_wait3A_160] : memref<2x128x128xf32, #tpu.memory_space<vmem>> -> memref<1x128x128xf32, #tpu.memory_space<vmem>>
    %dma_wait3A_162 = tpu.memref_squeeze %dma_wait3A_161 : memref<1x128x128xf32, #tpu.memory_space<vmem>> -> memref<128x128xf32, #tpu.memory_space<vmem>>
    tpu.wait_dma2 semaphore(%arg13 : memref<!tpu.dma_semaphore, #tpu.memory_space<semaphore_mem>>) src(%dma_wait3A_162 : memref<128x128xf32, #tpu.memory_space<vmem>>) dst(%dma_wait3A_158 : memref<128x128xf32, #tpu.memory_space<hbm>>)
    %dma_wait3A_163 = arith.constant 1 : i32
    %dma_wait3A_164 = arith.constant 0 : i32
    %dma_wait3A_165 = arith.constant 0 : i32
    %dma_wait3A_166 = tpu.memref_slice %arg9[%dma_wait3A_163, %dma_wait3A_164, %dma_wait3A_165] : memref<2x128x128xf32, #tpu.memory_space<vmem>> -> memref<1x128x128xf32, #tpu.memory_space<vmem>>
    %dma_wait3A_167 = tpu.memref_squeeze %dma_wait3A_166 : memref<1x128x128xf32, #tpu.memory_space<vmem>> -> memref<128x128xf32, #tpu.memory_space<vmem>>
    %dma_wait3A_168 = arith.constant 0 : i32
    %dma_wait3A_169 = tpu.memref_slice %arg6[%add3A_110, %dma_wait3A_168] : memref<8192x256xf32, #tpu.memory_space<hbm>> -> memref<128x128xf32, #tpu.memory_space<hbm>>
    %dma_wait3A_170 = arith.constant 0 : i32
    %dma_wait3A_171 = tpu.memref_slice %arg6[%add3A_110, %dma_wait3A_170] : memref<8192x256xf32, #tpu.memory_space<hbm>> -> memref<128x128xf32, #tpu.memory_space<hbm>>
    %dma_wait3A_172 = arith.constant 0 : i32
    %dma_wait3A_173 = arith.constant 0 : i32
    %dma_wait3A_174 = tpu.memref_slice %arg9[%dma_wait3A_163, %dma_wait3A_172, %dma_wait3A_173] : memref<2x128x128xf32, #tpu.memory_space<vmem>> -> memref<1x128x128xf32, #tpu.memory_space<vmem>>
    %dma_wait3A_175 = tpu.memref_squeeze %dma_wait3A_174 : memref<1x128x128xf32, #tpu.memory_space<vmem>> -> memref<128x128xf32, #tpu.memory_space<vmem>>
    tpu.wait_dma2 semaphore(%arg13 : memref<!tpu.dma_semaphore, #tpu.memory_space<semaphore_mem>>) src(%dma_wait3A_175 : memref<128x128xf32, #tpu.memory_space<vmem>>) dst(%dma_wait3A_171 : memref<128x128xf32, #tpu.memory_space<hbm>>)
    %dma_wait3A_176 = arith.constant 1 : i32
    %dma_wait3A_177 = arith.constant 0 : i32
    %dma_wait3A_178 = arith.constant 0 : i32
    %dma_wait3A_179 = tpu.memref_slice %arg10[%dma_wait3A_176, %dma_wait3A_177, %dma_wait3A_178] : memref<2x128x128xf32, #tpu.memory_space<vmem>> -> memref<1x128x128xf32, #tpu.memory_space<vmem>>
    %dma_wait3A_180 = tpu.memref_squeeze %dma_wait3A_179 : memref<1x128x128xf32, #tpu.memory_space<vmem>> -> memref<128x128xf32, #tpu.memory_space<vmem>>
    %dma_wait3A_181 = arith.constant 128 : i32
    %dma_wait3A_182 = tpu.memref_slice %arg6[%add3A_110, %dma_wait3A_181] : memref<8192x256xf32, #tpu.memory_space<hbm>> -> memref<128x128xf32, #tpu.memory_space<hbm>>
    %dma_wait3A_183 = arith.constant 128 : i32
    %dma_wait3A_184 = tpu.memref_slice %arg6[%add3A_110, %dma_wait3A_183] : memref<8192x256xf32, #tpu.memory_space<hbm>> -> memref<128x128xf32, #tpu.memory_space<hbm>>
    %dma_wait3A_185 = arith.constant 0 : i32
    %dma_wait3A_186 = arith.constant 0 : i32
    %dma_wait3A_187 = tpu.memref_slice %arg10[%dma_wait3A_176, %dma_wait3A_185, %dma_wait3A_186] : memref<2x128x128xf32, #tpu.memory_space<vmem>> -> memref<1x128x128xf32, #tpu.memory_space<vmem>>
    %dma_wait3A_188 = tpu.memref_squeeze %dma_wait3A_187 : memref<1x128x128xf32, #tpu.memory_space<vmem>> -> memref<128x128xf32, #tpu.memory_space<vmem>>
    tpu.wait_dma2 semaphore(%arg13 : memref<!tpu.dma_semaphore, #tpu.memory_space<semaphore_mem>>) src(%dma_wait3A_188 : memref<128x128xf32, #tpu.memory_space<vmem>>) dst(%dma_wait3A_184 : memref<128x128xf32, #tpu.memory_space<hbm>>)
    return
  }
}

#map = affine_map<(d0, d1) -> (0)>
#map1 = affine_map<(d0, d1) -> (0, 0)>
module attributes {stable_mosaic.version = 14 : i64} {
  func.func @_sc_gather_body(%arg0: i32, %arg1: i32, %arg2: memref<8192xi32, #tpu.memory_space<hbm>>, %arg3: memref<8192xi32, #tpu.memory_space<hbm>>, %arg4: memref<100000x128xf32, #tpu.memory_space<hbm>>, %arg5: memref<100000x128xf32, #tpu.memory_space<hbm>>, %arg6: memref<8192x256xf32, #tpu.memory_space<hbm>>, %arg7: memref<256xi32, #tpu.memory_space<vmem>>, %arg8: memref<256xi32, #tpu.memory_space<vmem>>, %arg9: memref<2x128x128xf32, #tpu.memory_space<vmem>>, %arg10: memref<2x128x128xf32, #tpu.memory_space<vmem>>, %arg11: memref<!tpu.dma_semaphore, #tpu.memory_space<semaphore_mem>>, %arg12: memref<!tpu.dma_semaphore, #tpu.memory_space<semaphore_mem>>, %arg13: memref<!tpu.dma_semaphore, #tpu.memory_space<semaphore_mem>>) attributes {dimension_semantics = [#tpu.dimension_semantics<core_parallel>, #tpu.dimension_semantics<subcore_parallel>], iteration_bounds = array<i64: 2, 16>, scalar_prefetch = 0 : i64, scratch_operands = 7 : i64, tpu.core_type = #tpu.core_type<sc_vector_subcore>, window_params = [{transform_indices = #map}, {transform_indices = #map}, {transform_indices = #map1}, {transform_indices = #map1}, {transform_indices = #map1}]} {
    %mul3A = arith.constant 2 : i32
    %mul3A_0 = arith.muli %arg1, %mul3A : i32
    %add3A = arith.addi %mul3A_0, %arg0 : i32
    %mul3A_1 = arith.constant 256 : i32
    %mul3A_2 = arith.muli %add3A, %mul3A_1 : i32
    "tpu.region"() ({
      %run_scoped3A = tpu.sem_alloc : memref<!tpu.dma_semaphore, #tpu.memory_space<semaphore_mem>>
      %dma_start3A_189 = tpu.memref_slice %arg2[%mul3A_2] : memref<8192xi32, #tpu.memory_space<hbm>> -> memref<256xi32, #tpu.memory_space<hbm>>
      %dma_start3A_190 = tpu.memref_slice %arg2[%mul3A_2] : memref<8192xi32, #tpu.memory_space<hbm>> -> memref<256xi32, #tpu.memory_space<hbm>>
      tpu.enqueue_dma source(%dma_start3A_190 : memref<256xi32, #tpu.memory_space<hbm>>) target(%arg7 : memref<256xi32, #tpu.memory_space<vmem>>) target_semaphore(%run_scoped3A : memref<!tpu.dma_semaphore, #tpu.memory_space<semaphore_mem>>)
      %dma_wait3A_191 = tpu.memref_slice %arg2[%mul3A_2] : memref<8192xi32, #tpu.memory_space<hbm>> -> memref<256xi32, #tpu.memory_space<hbm>>
      %dma_wait3A_192 = tpu.memref_slice %arg2[%mul3A_2] : memref<8192xi32, #tpu.memory_space<hbm>> -> memref<256xi32, #tpu.memory_space<hbm>>
      tpu.wait_dma2 semaphore(%run_scoped3A : memref<!tpu.dma_semaphore, #tpu.memory_space<semaphore_mem>>) src(%dma_wait3A_192 : memref<256xi32, #tpu.memory_space<hbm>>) dst(%arg7 : memref<256xi32, #tpu.memory_space<vmem>>)
      tpu.yield
    }) : () -> ()
    "tpu.region"() ({
      %run_scoped3A = tpu.sem_alloc : memref<!tpu.dma_semaphore, #tpu.memory_space<semaphore_mem>>
      %dma_start3A_189 = tpu.memref_slice %arg3[%mul3A_2] : memref<8192xi32, #tpu.memory_space<hbm>> -> memref<256xi32, #tpu.memory_space<hbm>>
      %dma_start3A_190 = tpu.memref_slice %arg3[%mul3A_2] : memref<8192xi32, #tpu.memory_space<hbm>> -> memref<256xi32, #tpu.memory_space<hbm>>
      tpu.enqueue_dma source(%dma_start3A_190 : memref<256xi32, #tpu.memory_space<hbm>>) target(%arg8 : memref<256xi32, #tpu.memory_space<vmem>>) target_semaphore(%run_scoped3A : memref<!tpu.dma_semaphore, #tpu.memory_space<semaphore_mem>>)
      %dma_wait3A_191 = tpu.memref_slice %arg3[%mul3A_2] : memref<8192xi32, #tpu.memory_space<hbm>> -> memref<256xi32, #tpu.memory_space<hbm>>
      %dma_wait3A_192 = tpu.memref_slice %arg3[%mul3A_2] : memref<8192xi32, #tpu.memory_space<hbm>> -> memref<256xi32, #tpu.memory_space<hbm>>
      tpu.wait_dma2 semaphore(%run_scoped3A : memref<!tpu.dma_semaphore, #tpu.memory_space<semaphore_mem>>) src(%dma_wait3A_192 : memref<256xi32, #tpu.memory_space<hbm>>) dst(%arg8 : memref<256xi32, #tpu.memory_space<vmem>>)
      tpu.yield
    }) : () -> ()
    %dma_start3A = arith.constant 0 : i32
    %dma_start3A_3 = arith.constant 0 : i32
    %dma_start3A_4 = arith.constant 0 : i32
    %dma_start3A_5 = tpu.memref_slice %arg9[%dma_start3A, %dma_start3A_3, %dma_start3A_4] : memref<2x128x128xf32, #tpu.memory_space<vmem>> -> memref<1x128x128xf32, #tpu.memory_space<vmem>>
    %dma_start3A_6 = tpu.memref_squeeze %dma_start3A_5 : memref<1x128x128xf32, #tpu.memory_space<vmem>> -> memref<128x128xf32, #tpu.memory_space<vmem>>
    %dma_start3A_7 = arith.constant 0 : i32
    %dma_start3A_8 = tpu.memref_slice %arg7[%dma_start3A_7] : memref<256xi32, #tpu.memory_space<vmem>> -> memref<128xi32, #tpu.memory_space<vmem>>
    %dma_start3A_9 = arith.constant 0 : i32
    %dma_start3A_10 = arith.constant 0 : i32
    %dma_start3A_11 = tpu.memref_slice %arg4[%dma_start3A_9, %dma_start3A_10] : memref<100000x128xf32, #tpu.memory_space<hbm>> -> memref<100000x128xf32, #tpu.memory_space<hbm>>
    tpu.enqueue_indirect_dma source(%dma_start3A_11 : memref<100000x128xf32, #tpu.memory_space<hbm>>) target(%dma_start3A_6 : memref<128x128xf32, #tpu.memory_space<vmem>>) offsets(%dma_start3A_8 : memref<128xi32, #tpu.memory_space<vmem>>) semaphore(%arg11 : memref<!tpu.dma_semaphore, #tpu.memory_space<semaphore_mem>>)
    %dma_start3A_12 = arith.constant 0 : i32
    %dma_start3A_13 = arith.constant 0 : i32
    %dma_start3A_14 = arith.constant 0 : i32
    %dma_start3A_15 = tpu.memref_slice %arg10[%dma_start3A_12, %dma_start3A_13, %dma_start3A_14] : memref<2x128x128xf32, #tpu.memory_space<vmem>> -> memref<1x128x128xf32, #tpu.memory_space<vmem>>
    %dma_start3A_16 = tpu.memref_squeeze %dma_start3A_15 : memref<1x128x128xf32, #tpu.memory_space<vmem>> -> memref<128x128xf32, #tpu.memory_space<vmem>>
    %dma_start3A_17 = arith.constant 0 : i32
    %dma_start3A_18 = tpu.memref_slice %arg8[%dma_start3A_17] : memref<256xi32, #tpu.memory_space<vmem>> -> memref<128xi32, #tpu.memory_space<vmem>>
    %dma_start3A_19 = arith.constant 0 : i32
    %dma_start3A_20 = arith.constant 0 : i32
    %dma_start3A_21 = tpu.memref_slice %arg5[%dma_start3A_19, %dma_start3A_20] : memref<100000x128xf32, #tpu.memory_space<hbm>> -> memref<100000x128xf32, #tpu.memory_space<hbm>>
    tpu.enqueue_indirect_dma source(%dma_start3A_21 : memref<100000x128xf32, #tpu.memory_space<hbm>>) target(%dma_start3A_16 : memref<128x128xf32, #tpu.memory_space<vmem>>) offsets(%dma_start3A_18 : memref<128xi32, #tpu.memory_space<vmem>>) semaphore(%arg12 : memref<!tpu.dma_semaphore, #tpu.memory_space<semaphore_mem>>)
    %dma_wait3A = arith.constant 0 : i32
    %dma_wait3A_22 = arith.constant 0 : i32
    %dma_wait3A_23 = arith.constant 0 : i32
    %dma_wait3A_24 = tpu.memref_slice %arg9[%dma_wait3A, %dma_wait3A_22, %dma_wait3A_23] : memref<2x128x128xf32, #tpu.memory_space<vmem>> -> memref<1x128x128xf32, #tpu.memory_space<vmem>>
    %dma_wait3A_25 = tpu.memref_squeeze %dma_wait3A_24 : memref<1x128x128xf32, #tpu.memory_space<vmem>> -> memref<128x128xf32, #tpu.memory_space<vmem>>
    %dma_wait3A_26 = arith.constant 0 : i32
    %dma_wait3A_27 = tpu.memref_slice %arg7[%dma_wait3A_26] : memref<256xi32, #tpu.memory_space<vmem>> -> memref<128xi32, #tpu.memory_space<vmem>>
    %dma_wait3A_28 = arith.constant 0 : i32
    %dma_wait3A_29 = arith.constant 0 : i32
    %dma_wait3A_30 = tpu.memref_slice %arg4[%dma_wait3A_28, %dma_wait3A_29] : memref<100000x128xf32, #tpu.memory_space<hbm>> -> memref<100000x128xf32, #tpu.memory_space<hbm>>
    tpu.wait_indirect_dma semaphore(%arg11 : memref<!tpu.dma_semaphore, #tpu.memory_space<semaphore_mem>>) src(%dma_wait3A_30 : memref<100000x128xf32, #tpu.memory_space<hbm>>) dst(%dma_wait3A_25 : memref<128x128xf32, #tpu.memory_space<vmem>>)
    %dma_wait3A_31 = arith.constant 0 : i32
    %dma_wait3A_32 = arith.constant 0 : i32
    %dma_wait3A_33 = arith.constant 0 : i32
    %dma_wait3A_34 = tpu.memref_slice %arg10[%dma_wait3A_31, %dma_wait3A_32, %dma_wait3A_33] : memref<2x128x128xf32, #tpu.memory_space<vmem>> -> memref<1x128x128xf32, #tpu.memory_space<vmem>>
    %dma_wait3A_35 = tpu.memref_squeeze %dma_wait3A_34 : memref<1x128x128xf32, #tpu.memory_space<vmem>> -> memref<128x128xf32, #tpu.memory_space<vmem>>
    %dma_wait3A_36 = arith.constant 0 : i32
    %dma_wait3A_37 = tpu.memref_slice %arg8[%dma_wait3A_36] : memref<256xi32, #tpu.memory_space<vmem>> -> memref<128xi32, #tpu.memory_space<vmem>>
    %dma_wait3A_38 = arith.constant 0 : i32
    %dma_wait3A_39 = arith.constant 0 : i32
    %dma_wait3A_40 = tpu.memref_slice %arg5[%dma_wait3A_38, %dma_wait3A_39] : memref<100000x128xf32, #tpu.memory_space<hbm>> -> memref<100000x128xf32, #tpu.memory_space<hbm>>
    tpu.wait_indirect_dma semaphore(%arg12 : memref<!tpu.dma_semaphore, #tpu.memory_space<semaphore_mem>>) src(%dma_wait3A_40 : memref<100000x128xf32, #tpu.memory_space<hbm>>) dst(%dma_wait3A_35 : memref<128x128xf32, #tpu.memory_space<vmem>>)
    %add3A_41 = arith.constant 0 : i32
    %add3A_42 = arith.addi %mul3A_2, %add3A_41 : i32
    %dma_start3A_43 = arith.constant 0 : i32
    %dma_start3A_44 = arith.constant 0 : i32
    %dma_start3A_45 = arith.constant 0 : i32
    %dma_start3A_46 = tpu.memref_slice %arg9[%dma_start3A_43, %dma_start3A_44, %dma_start3A_45] : memref<2x128x128xf32, #tpu.memory_space<vmem>> -> memref<1x128x128xf32, #tpu.memory_space<vmem>>
    %dma_start3A_47 = tpu.memref_squeeze %dma_start3A_46 : memref<1x128x128xf32, #tpu.memory_space<vmem>> -> memref<128x128xf32, #tpu.memory_space<vmem>>
    %dma_start3A_48 = arith.constant 0 : i32
    %dma_start3A_49 = tpu.memref_slice %arg6[%add3A_42, %dma_start3A_48] : memref<8192x256xf32, #tpu.memory_space<hbm>> -> memref<128x128xf32, #tpu.memory_space<hbm>>
    %dma_start3A_50 = arith.constant 0 : i32
    %dma_start3A_51 = tpu.memref_slice %arg6[%add3A_42, %dma_start3A_50] : memref<8192x256xf32, #tpu.memory_space<hbm>> -> memref<128x128xf32, #tpu.memory_space<hbm>>
    %dma_start3A_52 = arith.constant 0 : i32
    %dma_start3A_53 = arith.constant 0 : i32
    %dma_start3A_54 = tpu.memref_slice %arg9[%dma_start3A_43, %dma_start3A_52, %dma_start3A_53] : memref<2x128x128xf32, #tpu.memory_space<vmem>> -> memref<1x128x128xf32, #tpu.memory_space<vmem>>
    %dma_start3A_55 = tpu.memref_squeeze %dma_start3A_54 : memref<1x128x128xf32, #tpu.memory_space<vmem>> -> memref<128x128xf32, #tpu.memory_space<vmem>>
    tpu.enqueue_dma source(%dma_start3A_55 : memref<128x128xf32, #tpu.memory_space<vmem>>) target(%dma_start3A_51 : memref<128x128xf32, #tpu.memory_space<hbm>>) target_semaphore(%arg13 : memref<!tpu.dma_semaphore, #tpu.memory_space<semaphore_mem>>)
    %dma_start3A_56 = arith.constant 0 : i32
    %dma_start3A_57 = arith.constant 0 : i32
    %dma_start3A_58 = arith.constant 0 : i32
    %dma_start3A_59 = tpu.memref_slice %arg10[%dma_start3A_56, %dma_start3A_57, %dma_start3A_58] : memref<2x128x128xf32, #tpu.memory_space<vmem>> -> memref<1x128x128xf32, #tpu.memory_space<vmem>>
    %dma_start3A_60 = tpu.memref_squeeze %dma_start3A_59 : memref<1x128x128xf32, #tpu.memory_space<vmem>> -> memref<128x128xf32, #tpu.memory_space<vmem>>
    %dma_start3A_61 = arith.constant 128 : i32
    %dma_start3A_62 = tpu.memref_slice %arg6[%add3A_42, %dma_start3A_61] : memref<8192x256xf32, #tpu.memory_space<hbm>> -> memref<128x128xf32, #tpu.memory_space<hbm>>
    %dma_start3A_63 = arith.constant 128 : i32
    %dma_start3A_64 = tpu.memref_slice %arg6[%add3A_42, %dma_start3A_63] : memref<8192x256xf32, #tpu.memory_space<hbm>> -> memref<128x128xf32, #tpu.memory_space<hbm>>
    %dma_start3A_65 = arith.constant 0 : i32
    %dma_start3A_66 = arith.constant 0 : i32
    %dma_start3A_67 = tpu.memref_slice %arg10[%dma_start3A_56, %dma_start3A_65, %dma_start3A_66] : memref<2x128x128xf32, #tpu.memory_space<vmem>> -> memref<1x128x128xf32, #tpu.memory_space<vmem>>
    %dma_start3A_68 = tpu.memref_squeeze %dma_start3A_67 : memref<1x128x128xf32, #tpu.memory_space<vmem>> -> memref<128x128xf32, #tpu.memory_space<vmem>>
    tpu.enqueue_dma source(%dma_start3A_68 : memref<128x128xf32, #tpu.memory_space<vmem>>) target(%dma_start3A_64 : memref<128x128xf32, #tpu.memory_space<hbm>>) target_semaphore(%arg13 : memref<!tpu.dma_semaphore, #tpu.memory_space<semaphore_mem>>)
    %dma_start3A_69 = arith.constant 1 : i32
    %dma_start3A_70 = arith.constant 0 : i32
    %dma_start3A_71 = arith.constant 0 : i32
    %dma_start3A_72 = tpu.memref_slice %arg9[%dma_start3A_69, %dma_start3A_70, %dma_start3A_71] : memref<2x128x128xf32, #tpu.memory_space<vmem>> -> memref<1x128x128xf32, #tpu.memory_space<vmem>>
    %dma_start3A_73 = tpu.memref_squeeze %dma_start3A_72 : memref<1x128x128xf32, #tpu.memory_space<vmem>> -> memref<128x128xf32, #tpu.memory_space<vmem>>
    %dma_start3A_74 = arith.constant 128 : i32
    %dma_start3A_75 = tpu.memref_slice %arg7[%dma_start3A_74] : memref<256xi32, #tpu.memory_space<vmem>> -> memref<128xi32, #tpu.memory_space<vmem>>
    %dma_start3A_76 = arith.constant 0 : i32
    %dma_start3A_77 = arith.constant 0 : i32
    %dma_start3A_78 = tpu.memref_slice %arg4[%dma_start3A_76, %dma_start3A_77] : memref<100000x128xf32, #tpu.memory_space<hbm>> -> memref<100000x128xf32, #tpu.memory_space<hbm>>
    tpu.enqueue_indirect_dma source(%dma_start3A_78 : memref<100000x128xf32, #tpu.memory_space<hbm>>) target(%dma_start3A_73 : memref<128x128xf32, #tpu.memory_space<vmem>>) offsets(%dma_start3A_75 : memref<128xi32, #tpu.memory_space<vmem>>) semaphore(%arg11 : memref<!tpu.dma_semaphore, #tpu.memory_space<semaphore_mem>>)
    %dma_start3A_79 = arith.constant 1 : i32
    %dma_start3A_80 = arith.constant 0 : i32
    %dma_start3A_81 = arith.constant 0 : i32
    %dma_start3A_82 = tpu.memref_slice %arg10[%dma_start3A_79, %dma_start3A_80, %dma_start3A_81] : memref<2x128x128xf32, #tpu.memory_space<vmem>> -> memref<1x128x128xf32, #tpu.memory_space<vmem>>
    %dma_start3A_83 = tpu.memref_squeeze %dma_start3A_82 : memref<1x128x128xf32, #tpu.memory_space<vmem>> -> memref<128x128xf32, #tpu.memory_space<vmem>>
    %dma_start3A_84 = arith.constant 128 : i32
    %dma_start3A_85 = tpu.memref_slice %arg8[%dma_start3A_84] : memref<256xi32, #tpu.memory_space<vmem>> -> memref<128xi32, #tpu.memory_space<vmem>>
    %dma_start3A_86 = arith.constant 0 : i32
    %dma_start3A_87 = arith.constant 0 : i32
    %dma_start3A_88 = tpu.memref_slice %arg5[%dma_start3A_86, %dma_start3A_87] : memref<100000x128xf32, #tpu.memory_space<hbm>> -> memref<100000x128xf32, #tpu.memory_space<hbm>>
    tpu.enqueue_indirect_dma source(%dma_start3A_88 : memref<100000x128xf32, #tpu.memory_space<hbm>>) target(%dma_start3A_83 : memref<128x128xf32, #tpu.memory_space<vmem>>) offsets(%dma_start3A_85 : memref<128xi32, #tpu.memory_space<vmem>>) semaphore(%arg12 : memref<!tpu.dma_semaphore, #tpu.memory_space<semaphore_mem>>)
    %dma_wait3A_89 = arith.constant 1 : i32
    %dma_wait3A_90 = arith.constant 0 : i32
    %dma_wait3A_91 = arith.constant 0 : i32
    %dma_wait3A_92 = tpu.memref_slice %arg9[%dma_wait3A_89, %dma_wait3A_90, %dma_wait3A_91] : memref<2x128x128xf32, #tpu.memory_space<vmem>> -> memref<1x128x128xf32, #tpu.memory_space<vmem>>
    %dma_wait3A_93 = tpu.memref_squeeze %dma_wait3A_92 : memref<1x128x128xf32, #tpu.memory_space<vmem>> -> memref<128x128xf32, #tpu.memory_space<vmem>>
    %dma_wait3A_94 = arith.constant 128 : i32
    %dma_wait3A_95 = tpu.memref_slice %arg7[%dma_wait3A_94] : memref<256xi32, #tpu.memory_space<vmem>> -> memref<128xi32, #tpu.memory_space<vmem>>
    %dma_wait3A_96 = arith.constant 0 : i32
    %dma_wait3A_97 = arith.constant 0 : i32
    %dma_wait3A_98 = tpu.memref_slice %arg4[%dma_wait3A_96, %dma_wait3A_97] : memref<100000x128xf32, #tpu.memory_space<hbm>> -> memref<100000x128xf32, #tpu.memory_space<hbm>>
    tpu.wait_indirect_dma semaphore(%arg11 : memref<!tpu.dma_semaphore, #tpu.memory_space<semaphore_mem>>) src(%dma_wait3A_98 : memref<100000x128xf32, #tpu.memory_space<hbm>>) dst(%dma_wait3A_93 : memref<128x128xf32, #tpu.memory_space<vmem>>)
    %dma_wait3A_99 = arith.constant 1 : i32
    %dma_wait3A_100 = arith.constant 0 : i32
    %dma_wait3A_101 = arith.constant 0 : i32
    %dma_wait3A_102 = tpu.memref_slice %arg10[%dma_wait3A_99, %dma_wait3A_100, %dma_wait3A_101] : memref<2x128x128xf32, #tpu.memory_space<vmem>> -> memref<1x128x128xf32, #tpu.memory_space<vmem>>
    %dma_wait3A_103 = tpu.memref_squeeze %dma_wait3A_102 : memref<1x128x128xf32, #tpu.memory_space<vmem>> -> memref<128x128xf32, #tpu.memory_space<vmem>>
    %dma_wait3A_104 = arith.constant 128 : i32
    %dma_wait3A_105 = tpu.memref_slice %arg8[%dma_wait3A_104] : memref<256xi32, #tpu.memory_space<vmem>> -> memref<128xi32, #tpu.memory_space<vmem>>
    %dma_wait3A_106 = arith.constant 0 : i32
    %dma_wait3A_107 = arith.constant 0 : i32
    %dma_wait3A_108 = tpu.memref_slice %arg5[%dma_wait3A_106, %dma_wait3A_107] : memref<100000x128xf32, #tpu.memory_space<hbm>> -> memref<100000x128xf32, #tpu.memory_space<hbm>>
    tpu.wait_indirect_dma semaphore(%arg12 : memref<!tpu.dma_semaphore, #tpu.memory_space<semaphore_mem>>) src(%dma_wait3A_108 : memref<100000x128xf32, #tpu.memory_space<hbm>>) dst(%dma_wait3A_103 : memref<128x128xf32, #tpu.memory_space<vmem>>)
    %add3A_109 = arith.constant 128 : i32
    %add3A_110 = arith.addi %mul3A_2, %add3A_109 : i32
    %dma_start3A_111 = arith.constant 1 : i32
    %dma_start3A_112 = arith.constant 0 : i32
    %dma_start3A_113 = arith.constant 0 : i32
    %dma_start3A_114 = tpu.memref_slice %arg9[%dma_start3A_111, %dma_start3A_112, %dma_start3A_113] : memref<2x128x128xf32, #tpu.memory_space<vmem>> -> memref<1x128x128xf32, #tpu.memory_space<vmem>>
    %dma_start3A_115 = tpu.memref_squeeze %dma_start3A_114 : memref<1x128x128xf32, #tpu.memory_space<vmem>> -> memref<128x128xf32, #tpu.memory_space<vmem>>
    %dma_start3A_116 = arith.constant 0 : i32
    %dma_start3A_117 = tpu.memref_slice %arg6[%add3A_110, %dma_start3A_116] : memref<8192x256xf32, #tpu.memory_space<hbm>> -> memref<128x128xf32, #tpu.memory_space<hbm>>
    %dma_start3A_118 = arith.constant 0 : i32
    %dma_start3A_119 = tpu.memref_slice %arg6[%add3A_110, %dma_start3A_118] : memref<8192x256xf32, #tpu.memory_space<hbm>> -> memref<128x128xf32, #tpu.memory_space<hbm>>
    %dma_start3A_120 = arith.constant 0 : i32
    %dma_start3A_121 = arith.constant 0 : i32
    %dma_start3A_122 = tpu.memref_slice %arg9[%dma_start3A_111, %dma_start3A_120, %dma_start3A_121] : memref<2x128x128xf32, #tpu.memory_space<vmem>> -> memref<1x128x128xf32, #tpu.memory_space<vmem>>
    %dma_start3A_123 = tpu.memref_squeeze %dma_start3A_122 : memref<1x128x128xf32, #tpu.memory_space<vmem>> -> memref<128x128xf32, #tpu.memory_space<vmem>>
    tpu.enqueue_dma source(%dma_start3A_123 : memref<128x128xf32, #tpu.memory_space<vmem>>) target(%dma_start3A_119 : memref<128x128xf32, #tpu.memory_space<hbm>>) target_semaphore(%arg13 : memref<!tpu.dma_semaphore, #tpu.memory_space<semaphore_mem>>)
    %dma_start3A_124 = arith.constant 1 : i32
    %dma_start3A_125 = arith.constant 0 : i32
    %dma_start3A_126 = arith.constant 0 : i32
    %dma_start3A_127 = tpu.memref_slice %arg10[%dma_start3A_124, %dma_start3A_125, %dma_start3A_126] : memref<2x128x128xf32, #tpu.memory_space<vmem>> -> memref<1x128x128xf32, #tpu.memory_space<vmem>>
    %dma_start3A_128 = tpu.memref_squeeze %dma_start3A_127 : memref<1x128x128xf32, #tpu.memory_space<vmem>> -> memref<128x128xf32, #tpu.memory_space<vmem>>
    %dma_start3A_129 = arith.constant 128 : i32
    %dma_start3A_130 = tpu.memref_slice %arg6[%add3A_110, %dma_start3A_129] : memref<8192x256xf32, #tpu.memory_space<hbm>> -> memref<128x128xf32, #tpu.memory_space<hbm>>
    %dma_start3A_131 = arith.constant 128 : i32
    %dma_start3A_132 = tpu.memref_slice %arg6[%add3A_110, %dma_start3A_131] : memref<8192x256xf32, #tpu.memory_space<hbm>> -> memref<128x128xf32, #tpu.memory_space<hbm>>
    %dma_start3A_133 = arith.constant 0 : i32
    %dma_start3A_134 = arith.constant 0 : i32
    %dma_start3A_135 = tpu.memref_slice %arg10[%dma_start3A_124, %dma_start3A_133, %dma_start3A_134] : memref<2x128x128xf32, #tpu.memory_space<vmem>> -> memref<1x128x128xf32, #tpu.memory_space<vmem>>
    %dma_start3A_136 = tpu.memref_squeeze %dma_start3A_135 : memref<1x128x128xf32, #tpu.memory_space<vmem>> -> memref<128x128xf32, #tpu.memory_space<vmem>>
    tpu.enqueue_dma source(%dma_start3A_136 : memref<128x128xf32, #tpu.memory_space<vmem>>) target(%dma_start3A_132 : memref<128x128xf32, #tpu.memory_space<hbm>>) target_semaphore(%arg13 : memref<!tpu.dma_semaphore, #tpu.memory_space<semaphore_mem>>)
    %dma_wait3A_137 = arith.constant 0 : i32
    %dma_wait3A_138 = arith.constant 0 : i32
    %dma_wait3A_139 = arith.constant 0 : i32
    %dma_wait3A_140 = tpu.memref_slice %arg9[%dma_wait3A_137, %dma_wait3A_138, %dma_wait3A_139] : memref<2x128x128xf32, #tpu.memory_space<vmem>> -> memref<1x128x128xf32, #tpu.memory_space<vmem>>
    %dma_wait3A_141 = tpu.memref_squeeze %dma_wait3A_140 : memref<1x128x128xf32, #tpu.memory_space<vmem>> -> memref<128x128xf32, #tpu.memory_space<vmem>>
    %dma_wait3A_142 = arith.constant 0 : i32
    %dma_wait3A_143 = tpu.memref_slice %arg6[%add3A_42, %dma_wait3A_142] : memref<8192x256xf32, #tpu.memory_space<hbm>> -> memref<128x128xf32, #tpu.memory_space<hbm>>
    %dma_wait3A_144 = arith.constant 0 : i32
    %dma_wait3A_145 = tpu.memref_slice %arg6[%add3A_42, %dma_wait3A_144] : memref<8192x256xf32, #tpu.memory_space<hbm>> -> memref<128x128xf32, #tpu.memory_space<hbm>>
    %dma_wait3A_146 = arith.constant 0 : i32
    %dma_wait3A_147 = arith.constant 0 : i32
    %dma_wait3A_148 = tpu.memref_slice %arg9[%dma_wait3A_137, %dma_wait3A_146, %dma_wait3A_147] : memref<2x128x128xf32, #tpu.memory_space<vmem>> -> memref<1x128x128xf32, #tpu.memory_space<vmem>>
    %dma_wait3A_149 = tpu.memref_squeeze %dma_wait3A_148 : memref<1x128x128xf32, #tpu.memory_space<vmem>> -> memref<128x128xf32, #tpu.memory_space<vmem>>
    tpu.wait_dma2 semaphore(%arg13 : memref<!tpu.dma_semaphore, #tpu.memory_space<semaphore_mem>>) src(%dma_wait3A_149 : memref<128x128xf32, #tpu.memory_space<vmem>>) dst(%dma_wait3A_145 : memref<128x128xf32, #tpu.memory_space<hbm>>)
    %dma_wait3A_150 = arith.constant 0 : i32
    %dma_wait3A_151 = arith.constant 0 : i32
    %dma_wait3A_152 = arith.constant 0 : i32
    %dma_wait3A_153 = tpu.memref_slice %arg10[%dma_wait3A_150, %dma_wait3A_151, %dma_wait3A_152] : memref<2x128x128xf32, #tpu.memory_space<vmem>> -> memref<1x128x128xf32, #tpu.memory_space<vmem>>
    %dma_wait3A_154 = tpu.memref_squeeze %dma_wait3A_153 : memref<1x128x128xf32, #tpu.memory_space<vmem>> -> memref<128x128xf32, #tpu.memory_space<vmem>>
    %dma_wait3A_155 = arith.constant 128 : i32
    %dma_wait3A_156 = tpu.memref_slice %arg6[%add3A_42, %dma_wait3A_155] : memref<8192x256xf32, #tpu.memory_space<hbm>> -> memref<128x128xf32, #tpu.memory_space<hbm>>
    %dma_wait3A_157 = arith.constant 128 : i32
    %dma_wait3A_158 = tpu.memref_slice %arg6[%add3A_42, %dma_wait3A_157] : memref<8192x256xf32, #tpu.memory_space<hbm>> -> memref<128x128xf32, #tpu.memory_space<hbm>>
    %dma_wait3A_159 = arith.constant 0 : i32
    %dma_wait3A_160 = arith.constant 0 : i32
    %dma_wait3A_161 = tpu.memref_slice %arg10[%dma_wait3A_150, %dma_wait3A_159, %dma_wait3A_160] : memref<2x128x128xf32, #tpu.memory_space<vmem>> -> memref<1x128x128xf32, #tpu.memory_space<vmem>>
    %dma_wait3A_162 = tpu.memref_squeeze %dma_wait3A_161 : memref<1x128x128xf32, #tpu.memory_space<vmem>> -> memref<128x128xf32, #tpu.memory_space<vmem>>
    tpu.wait_dma2 semaphore(%arg13 : memref<!tpu.dma_semaphore, #tpu.memory_space<semaphore_mem>>) src(%dma_wait3A_162 : memref<128x128xf32, #tpu.memory_space<vmem>>) dst(%dma_wait3A_158 : memref<128x128xf32, #tpu.memory_space<hbm>>)
    %dma_wait3A_163 = arith.constant 1 : i32
    %dma_wait3A_164 = arith.constant 0 : i32
    %dma_wait3A_165 = arith.constant 0 : i32
    %dma_wait3A_166 = tpu.memref_slice %arg9[%dma_wait3A_163, %dma_wait3A_164, %dma_wait3A_165] : memref<2x128x128xf32, #tpu.memory_space<vmem>> -> memref<1x128x128xf32, #tpu.memory_space<vmem>>
    %dma_wait3A_167 = tpu.memref_squeeze %dma_wait3A_166 : memref<1x128x128xf32, #tpu.memory_space<vmem>> -> memref<128x128xf32, #tpu.memory_space<vmem>>
    %dma_wait3A_168 = arith.constant 0 : i32
    %dma_wait3A_169 = tpu.memref_slice %arg6[%add3A_110, %dma_wait3A_168] : memref<8192x256xf32, #tpu.memory_space<hbm>> -> memref<128x128xf32, #tpu.memory_space<hbm>>
    %dma_wait3A_170 = arith.constant 0 : i32
    %dma_wait3A_171 = tpu.memref_slice %arg6[%add3A_110, %dma_wait3A_170] : memref<8192x256xf32, #tpu.memory_space<hbm>> -> memref<128x128xf32, #tpu.memory_space<hbm>>
    %dma_wait3A_172 = arith.constant 0 : i32
    %dma_wait3A_173 = arith.constant 0 : i32
    %dma_wait3A_174 = tpu.memref_slice %arg9[%dma_wait3A_163, %dma_wait3A_172, %dma_wait3A_173] : memref<2x128x128xf32, #tpu.memory_space<vmem>> -> memref<1x128x128xf32, #tpu.memory_space<vmem>>
    %dma_wait3A_175 = tpu.memref_squeeze %dma_wait3A_174 : memref<1x128x128xf32, #tpu.memory_space<vmem>> -> memref<128x128xf32, #tpu.memory_space<vmem>>
    tpu.wait_dma2 semaphore(%arg13 : memref<!tpu.dma_semaphore, #tpu.memory_space<semaphore_mem>>) src(%dma_wait3A_175 : memref<128x128xf32, #tpu.memory_space<vmem>>) dst(%dma_wait3A_171 : memref<128x128xf32, #tpu.memory_space<hbm>>)
    %dma_wait3A_176 = arith.constant 1 : i32
    %dma_wait3A_177 = arith.constant 0 : i32
    %dma_wait3A_178 = arith.constant 0 : i32
    %dma_wait3A_179 = tpu.memref_slice %arg10[%dma_wait3A_176, %dma_wait3A_177, %dma_wait3A_178] : memref<2x128x128xf32, #tpu.memory_space<vmem>> -> memref<1x128x128xf32, #tpu.memory_space<vmem>>
    %dma_wait3A_180 = tpu.memref_squeeze %dma_wait3A_179 : memref<1x128x128xf32, #tpu.memory_space<vmem>> -> memref<128x128xf32, #tpu.memory_space<vmem>>
    %dma_wait3A_181 = arith.constant 128 : i32
    %dma_wait3A_182 = tpu.memref_slice %arg6[%add3A_110, %dma_wait3A_181] : memref<8192x256xf32, #tpu.memory_space<hbm>> -> memref<128x128xf32, #tpu.memory_space<hbm>>
    %dma_wait3A_183 = arith.constant 128 : i32
    %dma_wait3A_184 = tpu.memref_slice %arg6[%add3A_110, %dma_wait3A_183] : memref<8192x256xf32, #tpu.memory_space<hbm>> -> memref<128x128xf32, #tpu.memory_space<hbm>>
    %dma_wait3A_185 = arith.constant 0 : i32
    %dma_wait3A_186 = arith.constant 0 : i32
    %dma_wait3A_187 = tpu.memref_slice %arg10[%dma_wait3A_176, %dma_wait3A_185, %dma_wait3A_186] : memref<2x128x128xf32, #tpu.memory_space<vmem>> -> memref<1x128x128xf32, #tpu.memory_space<vmem>>
    %dma_wait3A_188 = tpu.memref_squeeze %dma_wait3A_187 : memref<1x128x128xf32, #tpu.memory_space<vmem>> -> memref<128x128xf32, #tpu.memory_space<vmem>>
    tpu.wait_dma2 semaphore(%arg13 : memref<!tpu.dma_semaphore, #tpu.memory_space<semaphore_mem>>) src(%dma_wait3A_188 : memref<128x128xf32, #tpu.memory_space<vmem>>) dst(%dma_wait3A_184 : memref<128x128xf32, #tpu.memory_space<hbm>>)
    return
  }
}

module attributes {stable_mosaic.version = 14 : i64} {
  func.func @_tc_mlp_body(%arg0: i32, %arg1: memref<2048x256xf32, #tpu.memory_space<vmem>>, %arg2: memref<256x128xf32, #tpu.memory_space<vmem>>, %arg3: memref<256xf32, #tpu.memory_space<vmem>>, %arg4: memref<256xf32, #tpu.memory_space<vmem>>, %arg5: memref<128x256xf32, #tpu.memory_space<vmem>>, %arg6: memref<128xf32, #tpu.memory_space<vmem>>, %arg7: memref<128xf32, #tpu.memory_space<vmem>>, %arg8: memref<1xf32, #tpu.memory_space<smem>>, %arg9: memref<2048xf32, #tpu.memory_space<vmem>>) attributes {dimension_semantics = [#tpu.dimension_semantics<arbitrary>], iteration_bounds = array<i64: 4>, scalar_prefetch = 0 : i64, scratch_operands = 0 : i64, tpu.core_type = #tpu.core_type<tc>, window_params = [{transform_indices = @transform_0, window_bounds = array<i64: 2048, 256>}, {pipeline_mode = #tpu.pipeline_mode<synchronous>, transform_indices = @transform_1, window_bounds = array<i64: 256, 128>}, {pipeline_mode = #tpu.pipeline_mode<synchronous>, transform_indices = @transform_2, window_bounds = array<i64: 256>}, {pipeline_mode = #tpu.pipeline_mode<synchronous>, transform_indices = @transform_3, window_bounds = array<i64: 256>}, {pipeline_mode = #tpu.pipeline_mode<synchronous>, transform_indices = @transform_4, window_bounds = array<i64: 128, 256>}, {pipeline_mode = #tpu.pipeline_mode<synchronous>, transform_indices = @transform_5, window_bounds = array<i64: 128>}, {pipeline_mode = #tpu.pipeline_mode<synchronous>, transform_indices = @transform_6, window_bounds = array<i64: 128>}, {transform_indices = @transform_7, window_bounds = array<i64: 1>}, {transform_indices = @transform_8, window_bounds = array<i64: 2048>}]} {
    %get3A = arith.constant 0 : index
    %get3A_0 = arith.constant 0 : index
    %get3A_1 = vector.load %arg1[%get3A, %get3A_0] : memref<2048x256xf32, #tpu.memory_space<vmem>>, vector<2048x256xf32>
    %slice3A = vector.extract_strided_slice %get3A_1 {offsets = [0, 0], sizes = [2048, 64], strides = [1, 1]} : vector<2048x256xf32> to vector<2048x64xf32>
    %slice3A_2 = vector.extract_strided_slice %get3A_1 {offsets = [0, 128], sizes = [2048, 64], strides = [1, 1]} : vector<2048x256xf32> to vector<2048x64xf32>
    %concatenate3A = tpu.concatenate %slice3A, %slice3A_2 in 1 : vector<2048x64xf32>, vector<2048x64xf32> -> vector<2048x128xf32>
    %mul3A = arith.mulf %slice3A, %slice3A_2 : vector<2048x64xf32>
    %reduce_sum3A = arith.constant dense<0.000000e+00> : vector<2048xf32>
    %reduce_sum3A_3 = vector.multi_reduction <add>, %mul3A, %reduce_sum3A [1] : vector<2048x64xf32> to vector<2048xf32>
    %broadcast_in_dim3A = vector.shape_cast %reduce_sum3A_3 : vector<2048xf32> to vector<2048x1xf32>
    %get3A_4 = arith.constant 0 : index
    %get3A_5 = arith.constant 0 : index
    %get3A_6 = vector.load %arg2[%get3A_4, %get3A_5] : memref<256x128xf32, #tpu.memory_space<vmem>>, vector<256x128xf32>
    %dot_general3A = arith.constant dense<0.000000e+00> : vector<2048x256xf32>
    %dot_general3A_7 = tpu.matmul %concatenate3A, %get3A_6, %dot_general3A {dimension_numbers = #tpu.dot_dimension_numbers<[1], [1], [0], [0], [0, 0, 1, 0], [], []>, transpose_lhs_hint = false} : vector<2048x128xf32>, vector<256x128xf32>, vector<2048x256xf32> -> vector<2048x256xf32>
    %get3A_8 = arith.constant 0 : index
    %get3A_9 = vector.load %arg3[%get3A_8] : memref<256xf32, #tpu.memory_space<vmem>>, vector<256xf32>
    %broadcast_in_dim3A_10 = vector.shape_cast %get3A_9 : vector<256xf32> to vector<1x256xf32>
    %mul3A_11 = vector.broadcast %broadcast_in_dim3A : vector<2048x1xf32> to vector<2048x256xf32>
    %mul3A_12 = vector.broadcast %broadcast_in_dim3A_10 : vector<1x256xf32> to vector<2048x256xf32>
    %mul3A_13 = arith.mulf %mul3A_11, %mul3A_12 : vector<2048x256xf32>
    %get3A_14 = arith.constant 0 : index
    %get3A_15 = vector.load %arg4[%get3A_14] : memref<256xf32, #tpu.memory_space<vmem>>, vector<256xf32>
    %broadcast_in_dim3A_16 = vector.shape_cast %get3A_15 : vector<256xf32> to vector<1x256xf32>
    %add3A = vector.broadcast %broadcast_in_dim3A_16 : vector<1x256xf32> to vector<2048x256xf32>
    %add3A_17 = arith.addf %mul3A_13, %add3A : vector<2048x256xf32>
    %add3A_18 = arith.addf %dot_general3A_7, %add3A_17 : vector<2048x256xf32>
    %max3A = arith.constant 0.000000e+00 : f32
    %max3A_19 = vector.broadcast %max3A : f32 to vector<2048x256xf32>
    %max3A_20 = arith.maximumf %add3A_18, %max3A_19 : vector<2048x256xf32>
    %get3A_21 = arith.constant 0 : index
    %get3A_22 = arith.constant 0 : index
    %get3A_23 = vector.load %arg5[%get3A_21, %get3A_22] : memref<128x256xf32, #tpu.memory_space<vmem>>, vector<128x256xf32>
    %dot_general3A_24 = arith.constant dense<0.000000e+00> : vector<2048x128xf32>
    %dot_general3A_25 = tpu.matmul %max3A_20, %get3A_23, %dot_general3A_24 {dimension_numbers = #tpu.dot_dimension_numbers<[1], [1], [0], [0], [0, 0, 1, 0], [], []>, transpose_lhs_hint = false} : vector<2048x256xf32>, vector<128x256xf32>, vector<2048x128xf32> -> vector<2048x128xf32>
    %get3A_26 = arith.constant 0 : index
    %get3A_27 = vector.load %arg6[%get3A_26] : memref<128xf32, #tpu.memory_space<vmem>>, vector<128xf32>
    %broadcast_in_dim3A_28 = vector.shape_cast %get3A_27 : vector<128xf32> to vector<1x128xf32>
    %add3A_29 = vector.broadcast %broadcast_in_dim3A_28 : vector<1x128xf32> to vector<2048x128xf32>
    %add3A_30 = arith.addf %dot_general3A_25, %add3A_29 : vector<2048x128xf32>
    %max3A_31 = arith.constant 0.000000e+00 : f32
    %max3A_32 = vector.broadcast %max3A_31 : f32 to vector<2048x128xf32>
    %max3A_33 = arith.maximumf %add3A_30, %max3A_32 : vector<2048x128xf32>
    %get3A_34 = arith.constant 0 : index
    %get3A_35 = vector.load %arg7[%get3A_34] : memref<128xf32, #tpu.memory_space<vmem>>, vector<128xf32>
    %broadcast_in_dim3A_36 = vector.shape_cast %get3A_35 : vector<128xf32> to vector<1x128xf32>
    %mul3A_37 = vector.broadcast %broadcast_in_dim3A_36 : vector<1x128xf32> to vector<2048x128xf32>
    %mul3A_38 = arith.mulf %max3A_33, %mul3A_37 : vector<2048x128xf32>
    %reduce_sum3A_39 = arith.constant dense<0.000000e+00> : vector<2048xf32>
    %reduce_sum3A_40 = vector.multi_reduction <add>, %mul3A_38, %reduce_sum3A_39 [1] : vector<2048x128xf32> to vector<2048xf32>
    %get3A_41 = arith.constant 0 : index
    %get3A_42 = memref.load %arg8[%get3A_41] : memref<1xf32, #tpu.memory_space<smem>>
    %add3A_43 = vector.broadcast %get3A_42 : f32 to vector<2048xf32>
    %add3A_44 = arith.addf %reduce_sum3A_40, %add3A_43 : vector<2048xf32>
    %swap3A = arith.constant 0 : index
    %swap3A_45 = vector.load %arg9[%swap3A] : memref<2048xf32, #tpu.memory_space<vmem>>, vector<2048xf32>
    tpu.vector_store %arg9[%swap3A], %add3A_44 {strides = array<i32>} : memref<2048xf32, #tpu.memory_space<vmem>>, vector<2048xf32>,
    return
  }
  func.func @transform_0(%arg0: i32) -> (i32, i32) {
    %c0_i32 = arith.constant 0 : i32
    %c0_i32_0 = arith.constant 0 : i32
    return %arg0, %c0_i32 : i32, i32
  }
  func.func @transform_1(%arg0: i32) -> (i32, i32) {
    %c0_i32 = arith.constant 0 : i32
    %c0_i32_0 = arith.constant 0 : i32
    %c0_i32_1 = arith.constant 0 : i32
    return %c0_i32, %c0_i32_0 : i32, i32
  }
  func.func @transform_2(%arg0: i32) -> i32 {
    %c0_i32 = arith.constant 0 : i32
    %c0_i32_0 = arith.constant 0 : i32
    return %c0_i32 : i32
  }
  func.func @transform_3(%arg0: i32) -> i32 {
    %c0_i32 = arith.constant 0 : i32
    %c0_i32_0 = arith.constant 0 : i32
    return %c0_i32 : i32
  }
  func.func @transform_4(%arg0: i32) -> (i32, i32) {
    %c0_i32 = arith.constant 0 : i32
    %c0_i32_0 = arith.constant 0 : i32
    %c0_i32_1 = arith.constant 0 : i32
    return %c0_i32, %c0_i32_0 : i32, i32
  }
  func.func @transform_5(%arg0: i32) -> i32 {
    %c0_i32 = arith.constant 0 : i32
    %c0_i32_0 = arith.constant 0 : i32
    return %c0_i32 : i32
  }
  func.func @transform_6(%arg0: i32) -> i32 {
    %c0_i32 = arith.constant 0 : i32
    %c0_i32_0 = arith.constant 0 : i32
    return %c0_i32 : i32
  }
  func.func @transform_7(%arg0: i32) -> i32 {
    %c0_i32 = arith.constant 0 : i32
    %c0_i32_0 = arith.constant 0 : i32
    return %c0_i32 : i32
  }
  func.func @transform_8(%arg0: i32) -> i32 {
    %c0_i32 = arith.constant 0 : i32
    return %arg0 : i32
  }
}

</mosaic_0001>

<sc_bundles>
// kernel: kernel.6.cloned.1.call-start
scs
__scs_entry_jumppad:
0x0: {  	(pc) =	sbr.rel $0x88, $3  }
0x1: {  	(tag) =	ssettag $0x0;
	lr =	simm.s32 $0x1  }
0x2: {  	[smem:$0x3F97] =	sst lr;
	_ =	strace $0xD0000000  }
0x3: {  	_ = 	snop  }
0x4: {  	_ = 	snop  }
0x5: {  	_ = 	snop  }
0x6: {  	_ = 	snop  }
0x7: {  	_ = 	snop  }
__scs_overlays_trampoline_lowered:
0x8: {  	[smem:$0x3FA6] =	sst s0  }
0x9: {  	[smem:$0x3FA7] =	sst s1  }
0xa: {  	[smem:$0x3FA8] =	sst s2  }
0xb: {  	[smem:$0x3FA9] =	sst s3  }
0xc: {  	[smem:$0x3FAA] =	sst s4  }
0xd: {  	[smem:$0x3FAB] =	sst s5  }
0xe: {  	[smem:$0x3FAC] =	sst s6  }
0xf: {  	[smem:$0x3FAD] =	sst s7  }
0x10: {  	[smem:$0x3FAE] =	sst s8  }
0x11: {  	[smem:$0x3FAF] =	sst s9;
	s0 =	simm.s32 @!p0 $0x0  }
0x12: {  	s1 =	sld [smem:$0x3F95];
	s0 =	simm.s32 @p0 $0x1  }
0x13: {  	[smem:$0x3FB0] =	sst s0;
	s0 =	simm.s32 @!p1 $0x0  }
0x14: {  	s2 =	sld [smem:$0x3F94];
	s0 =	simm.s32 @p1 $0x1  }
0x15: {  	[smem:$0x3FB1] =	sst s0;
	s0 =	simm.s32 @!p2 $0x0  }
0x16: {  	s3 =	sld [smem:$0x3FDB];
	s0 =	simm.s32 @p2 $0x1  }
0x17: {  	s4 =	simm.s32 $0x1BF5;
	[smem:$0x3FB3] =	sst s0  }
0x18: {  	s0 =	sld [smem:$0x3F96];
	_ =	swait.ge [sflag:s4], $0x0  }
0x19: {  	s7 =	sld [smem:$0x3F97]  }
0x1a: {  	s8 =	sadd.s32 $0xFFFFE003, lr  }
0x1b: {  	s9 =	sadd.s32 $0xFFFFFEF7, lr;
	s5 =	simm.s32 $0xFFFFFFFF;
	p2 =	slt.u32 s8, $0xFFFFF086  }
0x1c: {  	p1 =	slt.u32 s9, $0xF7A;
	s5 =	simm.s32 @!p2 $0x0  }
0x1d: {  	s5 =	simm.s32 @p1 $0x1;
	p0 =	seq.s32 s7, s2  }
0x1e: {  	s7 =	smul.u32 @!p0 $0xF7A, s2;
	p2 =	seq.s32 @!p0 s5, $0x0  }
0x1f: {  	s9 =	smul.u32 $0xF7A, s1;
	s8 =	simm.s32 @!p0 $0x1BF5;
	p2 =	por !p2, p0  }
0x20: {  	[sflag:s8] =	ssyncset.s32 @!p0 $0xFFFFF086;
	s6 =	sadd.s32 @!p0 s3, s7;
	s7 =	simm.s32 @!p0 $0x108  }
0x21: {  	s3 =	sadd.s32 s3, s9;
	s6 =	sadd.s32 @!p0 $0x88, s6;
	s7 =	simm.s32 @p2 $0x1082  }
0x22: {  	[simem:s7], [sflag:s8] =	dma.local @!p0 [hbm:s6], $0xF7A  }
0x23: {  	s9 =	sor.u32 $0xD0000000, s2;
	s6 =	simm.s32 $0x108;
	_ =	swait.ge @!p0 [sflag:s8], $0x0  }
0x24: {  	s3 =	sadd.s32 $0x88, s3;
	s6 =	simm.s32 @!p1 $0x1082;
	[sflag:s4] =	ssyncset.s32 $0xFFFFF086  }
0x25: {  	[simem:s6], [sflag:s4] =	dma.local [hbm:s3], $0xF7A  }
0x26: {  	[smem:$0x3F97] =	sst s1;
	(tag) =	ssettag s2;
	_ =	strace s9  }
0x27: {  	s1 =	sld [smem:$0x3FA7]  }
0x28: {  	s2 =	sld [smem:$0x3FA8]  }
0x29: {  	s4 =	sld [smem:$0x3FAA]  }
0x2a: {  	p0 =	seq.s32 s5, $0x0;
	s5 =	sld [smem:$0x3FAB]  }
0x2b: {  	s6 =	sld [smem:$0x3FAC]  }
0x2c: {  	s7 =	sld [smem:$0x3FAD]  }
0x2d: {  	s3 =	simm.s32 $0x108;
	s8 =	sld [smem:$0x3FAE]  }
0x2e: {  	s3 =	simm.s32 @!p0 $0x1082;
	s9 =	sld [smem:$0x3FAF]  }
0x2f: {  	lr =	sadd.s32 s0, s3;
	s0 =	sld [smem:$0x3FA6]  }
0x30: {  	s3 =	sld [smem:$0x3FA9]  }
0x31: {  	[smem:$0x3FB2] =	sst s10  }
0x32: {  	s10 =	sld [smem:$0x3FB0];
	_ =	sdelay $0x3  }
0x33: {  	p0 =	seq.s32 s10, $0x1;
	s10 =	sld [smem:$0x3FB2];
	_ =	sdelay $0x3  }
0x34: {  	[smem:$0x3FB2] =	sst s10  }
0x35: {  	s10 =	sld [smem:$0x3FB1];
	_ =	sdelay $0x3  }
0x36: {  	p1 =	seq.s32 s10, $0x1;
	s10 =	sld [smem:$0x3FB2];
	_ =	sdelay $0x3  }
0x37: {  	[smem:$0x3FB2] =	sst s10  }
0x38: {  	s10 =	sld [smem:$0x3FB3]  }
0x39: {  	_ = 	snop;
	(pc) =	sbr.ind lr, $3  }
0x3a: {  	_ = 	snop  }
0x3b: {  	_ = 	snop  }
0x3c: {  	p2 =	seq.s32 s10, $0x1;
	s10 =	sld [smem:$0x3FB2]  }
0x3d: {  	_ =	shalt  }
0x3e: {  	_ =	shalt  }
0x3f: {  	_ =	shalt  }
0x40: {  	_ =	shalt  }
0x41: {  	_ =	shalt  }
0x42: {  	_ =	shalt  }
0x43: {  	_ =	shalt  }
0x44: {  	_ =	shalt  }
0x45: {  	_ =	shalt  }
0x46: {  	_ =	shalt  }
0x47: {  	_ =	shalt  }
0x48: {  	_ =	shalt  }
0x49: {  	_ =	shalt  }
0x4a: {  	_ =	shalt  }
0x4b: {  	_ =	shalt  }
0x4c: {  	_ =	shalt  }
0x4d: {  	_ =	shalt  }
0x4e: {  	_ =	shalt  }
0x4f: {  	_ =	shalt  }
0x50: {  	_ =	shalt  }
0x51: {  	_ =	shalt  }
0x52: {  	_ =	shalt  }
0x53: {  	_ =	shalt  }
0x54: {  	_ =	shalt  }
0x55: {  	_ =	shalt  }
0x56: {  	_ =	shalt  }
0x57: {  	_ =	shalt  }
0x58: {  	_ =	shalt  }
0x59: {  	_ =	shalt  }
0x5a: {  	_ =	shalt  }
0x5b: {  	_ =	shalt  }
0x5c: {  	_ =	shalt  }
0x5d: {  	_ =	shalt  }
0x5e: {  	_ =	shalt  }
0x5f: {  	_ =	shalt  }
0x60: {  	_ =	shalt  }
0x61: {  	_ =	shalt  }
0x62: {  	_ =	shalt  }
0x63: {  	_ =	shalt  }
0x64: {  	_ =	shalt  }
0x65: {  	_ =	shalt  }
0x66: {  	_ =	shalt  }
0x67: {  	_ =	shalt  }
0x68: {  	_ =	shalt  }
0x69: {  	_ =	shalt  }
0x6a: {  	_ =	shalt  }
0x6b: {  	_ =	shalt  }
0x6c: {  	_ =	shalt  }
0x6d: {  	_ =	shalt  }
0x6e: {  	_ =	shalt  }
0x6f: {  	_ =	shalt  }
0x70: {  	_ =	shalt  }
0x71: {  	_ =	shalt  }
0x72: {  	_ =	shalt  }
0x73: {  	_ =	shalt  }
0x74: {  	_ =	shalt  }
0x75: {  	_ =	shalt  }
0x76: {  	_ =	shalt  }
0x77: {  	_ =	shalt  }
0x78: {  	_ =	shalt  }
0x79: {  	_ =	shalt  }
0x7a: {  	_ =	shalt  }
0x7b: {  	_ =	shalt  }
0x7c: {  	_ =	shalt  }
0x7d: {  	_ =	shalt  }
0x7e: {  	_ =	shalt  }
0x7f: {  	_ =	shalt  }
0x80: {  	_ =	shalt  }
0x81: {  	_ =	shalt  }
0x82: {  	_ =	shalt  }
0x83: {  	_ =	shalt  }
0x84: {  	_ =	shalt  }
0x85: {  	_ =	shalt  }
0x86: {  	_ =	shalt  }
0x87: {  	_ =	shalt  }
.Lfunc_end0:
.L_simem_size_0:
called_computation_lowered:
.L_overlay_start_0:
0x88: {  	s2 =	sld [smem:$0x3FD9]  }
0x89: {  	s3 =	sld [smem:$0x3FFE];
	_ =	sdelay $0x1  }
0x8a: {  	s1 =	srdreg.scid  }
0x8b: {  	s0 =	sand.u32 $0x1, s1  }
0x8c: {  	s17 =	sshll.u32 s0, $0xA;
	s2 =	sadd.s32 s3, s2  }
0x8d: {  	s2 =	sadd.s32 s2, s17  }
0x8e: {  	[smem:$0x3FBE] =	sst s2  }
0x8f: {  	_ = 	snop  }
0x90: {  	s2 =	sld [smem:$0x3FD0];
	(tm) =	ssettm $0x1  }
0x91: {  	s18 =	sld [smem:$0x3FFB];
	_ =	sdelay $0x3  }
0x92: {  	_ =	strace s18  }
0x93: {  	s3 =	sld [smem:$0x3FFC];
	_ =	sdelay $0x3  }
0x94: {  	_ =	strace s3  }
0x95: {  	s3 =	sld [smem:$0x3FFD];
	_ =	sdelay $0x3  }
0x96: {  	_ =	strace s3  }
0x97: {  	_ =	strace $0x8FFFFFFF  }
0x98: {  	s19 =	sld [smem:$0x3FDB];
	_ =	sdelay $0x1  }
0x99: {  	s4 =	simm.s32 $_scs_section_size  }
0x9a: {  	s5 =	simm.s32 $_size__tile_overlayer_lowered;
	s6 =	simm.s32 $_tile_overlayer_lowered  }
0x9b: {  	s22 =	simm.s32 $0x1BFF;
	s21 =	sshll.u32 s6, $0x1;
	s3 =	sadd.s32 s4, s19  }
0x9c: {  	s7 =	simm.s32 $0x0;
	s20 =	sshll.u32 s5, $0x1;
	s5 =	sadd.s32 s21, s3  }
0x9d: {  	[timem:s7], [sflag:s22] =	dma.local [hbm:s5], s20  }
0x9e: {  	_ =	swait.ge [sflag:s22], s20  }
0x9f: {  	s4 =	ssub.s32 $0x0, s20;
	[sflag:s22] =	ssyncset.done $0x0  }
0xa0: {  	[sflag:s22] =	ssyncadd.s32 s4;
	_ =	sdelay $0x1  }
0xa1: {  	s23 =	simm.s32 $0x1B8B  }
0xa2: {  	_ =	swait.ge [sflag:s23], $0x1  }
0xa3: {  	[sflag:s23] =	ssyncset.done $0x0  }
0xa4: {  	s25 =	simm.s32 $0x1B8E;
	s24 =	sld [smem:$0x3FFE];
	[sflag:s23] =	ssyncadd.s32 $0xFFFFFFFF  }
0xa5: {  	s26 =	simm.s32 $execute0_lowered;
	[smem:$0x3FD2] =	sst s25  }
0xa6: {  	s5 =	sshll.u32 s26, $0x1;
	_ =	strace $0x80000046;
	[dreg:$0x1] =	wrdreg $0xFFFFFFFF  }
0xa7: {  	s28 =	simm.s32 $_size_execute0_lowered;
	s3 =	sadd.s32 s3, s5;
	[dreg:$0x0] =	wrdreg $0x0  }
0xa8: {  	s5 =	sshll.u32 s28, $0x1;
	[dreg:$0x2] =	wrdreg s3  }
0xa9: {  	[dreg:$0x3] =	wrdreg s5  }
0xaa: {  	[dreg:$0x4] =	wrdreg $0xC0  }
0xab: {  	_ =	task [dreg:s7], $0x5FFFF  }
0xac: {  	[dreg:$0x1] =	wrdreg $0xFFFFFFFF  }
0xad: {  	[dreg:$0x0] =	wrdreg $0x60  }
0xae: {  	[dreg:$0x2] =	wrdreg s24  }
0xaf: {  	[dreg:$0x3] =	wrdreg s2  }
0xb0: {  	[dreg:$0x4] =	wrdreg $0x9  }
0xb1: {  	_ =	task.clear_ibuf [dreg:s7], $0x5FFFF;
	_ =	strace $0x90000046  }
0xb2: {  	s29 =	simm.s32 $0x9;
	_ =	strace $0x80000048  }
0xb3: {  	_ =	swait.ge [sflag:s29], $0x1  }
0xb4: {  	[sflag:s29] =	ssyncadd.s32 $0xFFFFFFFF  }
0xb5: {  	_ =	strace $0x90000048  }
0xb6: {  	_ =	sfence  }
0xb7: {  	s30 =	sld [smem:$0x0];
	_ =	sdelay $0x2  }
0xb8: {  	s31 =	sshll.u32 s1, $0xD;
	s1 =	sshrl.u32 s1, $0x2  }
0xb9: {  	s3 =	sand.u32 $0x4000, s31;
	s1 =	sadd.s32 s1, s30  }
0xba: {  	s0 =	sor.u32 s3, s0;
	s1 =	sshll.u32 s1, $0x11  }
0xbb: {  	s0 =	sor.u32 s1, s0  }
0xbc: {  	s0 =	sadd.s32 $0x8F2B, s0  }
0xbd: {  	[sflag:s0] =	ssyncadd.remote.s32 $0x1  }
0xbe: {  	_ =	sfence.sel $0xFFFF  }
0xbf: {  	[dreg:$0x0] =	wrdreg $0xFFFFFFFF;
	(pc) =	sbr.abs _section_cstart, $3  }
0xc0: {  	[dreg:$0x1] =	wrdreg $0xFFFFFFFF  }
0xc1: {  	_ =	task.clear_ibuf [dreg:s7], $0x2FFFF;
	_ =	strace $0x9FFFFFFF  }
0xc2: {  	(tm) =	ssettm $0x7FFFFFFF  }
0xc3: {  	_ =	shalt  }
tec
execute0_lowered:
.L_overlay_start_1:
0x0: {  	(tag) =	ssettag $0x1  }
0x1: {  	s1 =	srdreg.scid  }
0x2: {  	s0 =	stileid.u32;
	s24 =	sand.u32 $0x1, s1  }
0x3: {  	s31 =	sshll.u32 s0, $0x9;
	s2 =	sshll.u32 s24, $0x8  }
0x4: {  	s14 =	rddreg [dreg:$0x0];
	s13 =	sor.u32 s2, s31  }
0x5: {  	s5 =	rddreg [dreg:$0x1];
	s2 =	simm.s32 $0x0;
	s6 =	sshrl.u32 s13, $0x3  }
0x6: {  	s4 =	simm.s32 $0x4;
	[smem:$0x7FF] =	sst s2;
	s3 =	sadd.s32 s6, s14  }
0x7: {  	s1 =	rddreg [dreg:$0x2];
	_ =	strace $0x80000047;
	s3 =	sadd.s32 $0x18A600, s3  }
0x8: {  	[tilespmem:s2], [sflag:$0x4] =	stream.linear.gather [hbm4b:s3+s2], $0x100, $0x38;
	[tilespmem:$0x10200] =	vst v63  }
0x9: {  	_ =	swait.ge [sflag:s4], $0x100  }
0xa: {  	[sflag:s4] =	ssyncset.done $0x0  }
0xb: {  	s5 =	sadd.s32 s5, s6;
	s6 =	simm.s32 $0x100;
	[sflag:s4] =	ssyncadd.s32 $0xFFFFFF00  }
0xc: {  	[tilespmem:s6], [sflag:$0x4] =	stream.linear.gather [hbm4b:s5+s2], $0x100, $0x38;
	[tilespmem:$0x10200] =	vst v63  }
0xd: {  	_ =	swait.ge [sflag:s4], $0x100  }
0xe: {  	s8 =	simm.s32 $0x80;
	[sflag:s4] =	ssyncset.done $0x0  }
0xf: {  	s9 =	simm.s32 $0x200;
	s7 =	sadd.s32 $0x311000, s14;
	[sflag:s4] =	ssyncadd.s32 $0xFFFFFF00  }
0x10: {  	[tilespmem:s9], [sflag:$0x1] =	stream.indirect.gather [hbm4b:s7+s8], $0x80, s2, s8, $0xb8;
	[tilespmem:$0x10200] =	vst v63  }
0x11: {  	s11 =	simm.s32 $0x8200;
	s12 =	simm.s32 $0x1;
	s10 =	sadd.s32 $0x3C00, s14  }
0x12: {  	[tilespmem:s11], [sflag:$0x2] =	stream.indirect.gather [hbm4b:s10+s8], $0x80, s6, s8, $0xb8;
	[tilespmem:$0x10200] =	vst v63  }
0x13: {  	_ =	swait.ge [sflag:s12], $0x4000  }
0x14: {  	[sflag:s12] =	ssyncset.done $0x0  }
0x15: {  	s15 =	sshll.u32 s13, $0x5;
	s13 =	simm.s32 $0x2;
	[sflag:s12] =	ssyncadd.s32 $0xFFFFC000  }
0x16: {  	_ =	swait.ge [sflag:s13], $0x4000  }
0x17: {  	s16 =	simm.s32 $0x800;
	s22 =	sadd.s32 s15, s14;
	[sflag:s13] =	ssyncset.done $0x0  }
0x18: {  	s15 =	simm.s32 $0x400;
	s14 =	sadd.s32 $0x18B200, s22;
	[sflag:s13] =	ssyncadd.s32 $0xFFFFC000  }
0x19: {  	[hbm4b:s14+s15] =	stream.strided.scatter [tilespmem:s9], [sflag:$0x3], $0x4000, s16, s15, $0x38;
	[tilespmem:$0x10200] =	vst v63  }
0x1a: {  	s17 =	sadd.s32 $0x18B280, s22  }
0x1b: {  	[hbm4b:s17+s15] =	stream.strided.scatter [tilespmem:s11], [sflag:$0x3], $0x4000, s16, s15, $0x38;
	[tilespmem:$0x10200] =	vst v63  }
0x1c: {  	s18 =	simm.s32 $0x4200  }
0x1d: {  	[tilespmem:s18], [sflag:$0x1] =	stream.indirect.gather [hbm4b:s7+s8], $0x80, s8, s8, $0xb8;
	[tilespmem:$0x10200] =	vst v63  }
0x1e: {  	s19 =	simm.s32 $0x180;
	s20 =	simm.s32 $0xC200  }
0x1f: {  	[tilespmem:s20], [sflag:$0x2] =	stream.indirect.gather [hbm4b:s10+s8], $0x80, s19, s8, $0xb8;
	[tilespmem:$0x10200] =	vst v63  }
0x20: {  	_ =	swait.ge [sflag:s12], $0x4000  }
0x21: {  	[sflag:s12] =	ssyncset.done $0x0  }
0x22: {  	[sflag:s12] =	ssyncadd.s32 $0xFFFFC000  }
0x23: {  	_ =	swait.ge [sflag:s13], $0x4000  }
0x24: {  	[sflag:s13] =	ssyncset.done $0x0  }
0x25: {  	s21 =	sadd.s32 $0x18C200, s22;
	[sflag:s13] =	ssyncadd.s32 $0xFFFFC000  }
0x26: {  	[hbm4b:s21+s15] =	stream.strided.scatter [tilespmem:s18], [sflag:$0x3], $0x4000, s16, s15, $0x38;
	[tilespmem:$0x10200] =	vst v63  }
0x27: {  	s23 =	sadd.s32 $0x18C280, s22;
	s22 =	simm.s32 $0x3  }
0x28: {  	[hbm4b:s23+s15] =	stream.strided.scatter [tilespmem:s20], [sflag:$0x3], $0x4000, s16, s15, $0x38;
	[tilespmem:$0x10200] =	vst v63  }
0x29: {  	_ =	swait.ge [sflag:s22], $0x4000  }
0x2a: {  	s24 =	ssub.s32 $0x2, s24;
	[sflag:s22] =	ssyncset.done $0x0  }
0x2b: {  	s25 =	sshrl.u32 s24, $0x1;
	[sflag:s22] =	ssyncadd.s32 $0xFFFFC000  }
0x2c: {  	s24 =	ssub.s32 s24, s25;
	_ =	swait.ge [sflag:s22], $0x4000  }
0x2d: {  	s24 =	smax.u32 s24, $0x1;
	[sflag:s22] =	ssyncset.done $0x0  }
0x2e: {  	p0 =	sne.s32 s24, $0x1;
	[sflag:s22] =	ssyncadd.s32 $0xFFFFC000  }
.Ltmp0:
0x2f: {  	_ =	swait.ge [sflag:s22], $0x4000;
	(pc) =	sbr.rel @!p0 .LBB2_2-.Ltmp0, $4  }
0x30: {  	[sflag:s22] =	ssyncset.done $0x0  }
0x31: {  	[sflag:s22] =	ssyncadd.s32 $0xFFFFC000  }
0x32: {  	_ =	swait.ge [sflag:s22], $0x4000  }
0x33: {  	s24 =	sadd.s32 $0xFFFFFFFF, s24;
	[sflag:s22] =	ssyncset.done $0x0  }
.LBB2_1:
0x34: {  	p0 =	sne.s32 s24, $0x1;
	s24 =	sadd.s32 $0xFFFFFFFF, s24;
	[sflag:s22] =	ssyncadd.s32 $0xFFFFC000  }
0x35: {  	[tilespmem:s2], [sflag:$0x4] =	stream.linear.gather [hbm4b:s3+s2], $0x100, $0x38;
	[tilespmem:$0x10200] =	vst v63  }
0x36: {  	_ =	swait.ge [sflag:s4], $0x100  }
0x37: {  	[sflag:s4] =	ssyncset.done $0x0  }
0x38: {  	[sflag:s4] =	ssyncadd.s32 $0xFFFFFF00  }
0x39: {  	[tilespmem:s6], [sflag:$0x4] =	stream.linear.gather [hbm4b:s5+s2], $0x100, $0x38;
	[tilespmem:$0x10200] =	vst v63  }
0x3a: {  	_ =	swait.ge [sflag:s4], $0x100  }
0x3b: {  	[sflag:s4] =	ssyncset.done $0x0  }
0x3c: {  	[sflag:s4] =	ssyncadd.s32 $0xFFFFFF00  }
0x3d: {  	[tilespmem:s9], [sflag:$0x1] =	stream.indirect.gather [hbm4b:s7+s8], $0x80, s2, s8, $0xb8;
	[tilespmem:$0x10200] =	vst v63  }
0x3e: {  	_ = 	snop  }
0x3f: {  	[tilespmem:s11], [sflag:$0x2] =	stream.indirect.gather [hbm4b:s10+s8], $0x80, s6, s8, $0xb8;
	[tilespmem:$0x10200] =	vst v63  }
0x40: {  	_ =	swait.ge [sflag:s12], $0x4000  }
0x41: {  	[sflag:s12] =	ssyncset.done $0x0  }
0x42: {  	[sflag:s12] =	ssyncadd.s32 $0xFFFFC000  }
0x43: {  	_ =	swait.ge [sflag:s13], $0x4000  }
0x44: {  	[sflag:s13] =	ssyncset.done $0x0  }
0x45: {  	[sflag:s13] =	ssyncadd.s32 $0xFFFFC000  }
0x46: {  	[hbm4b:s14+s15] =	stream.strided.scatter [tilespmem:s9], [sflag:$0x3], $0x4000, s16, s15, $0x38;
	[tilespmem:$0x10200] =	vst v63  }
0x47: {  	_ = 	snop  }
0x48: {  	[hbm4b:s17+s15] =	stream.strided.scatter [tilespmem:s11], [sflag:$0x3], $0x4000, s16, s15, $0x38;
	[tilespmem:$0x10200] =	vst v63  }
0x49: {  	_ = 	snop  }
0x4a: {  	[tilespmem:s18], [sflag:$0x1] =	stream.indirect.gather [hbm4b:s7+s8], $0x80, s8, s8, $0xb8;
	[tilespmem:$0x10200] =	vst v63  }
0x4b: {  	_ = 	snop  }
0x4c: {  	[tilespmem:s20], [sflag:$0x2] =	stream.indirect.gather [hbm4b:s10+s8], $0x80, s19, s8, $0xb8;
	[tilespmem:$0x10200] =	vst v63  }
0x4d: {  	_ =	swait.ge [sflag:s12], $0x4000  }
0x4e: {  	[sflag:s12] =	ssyncset.done $0x0  }
0x4f: {  	[sflag:s12] =	ssyncadd.s32 $0xFFFFC000  }
0x50: {  	_ =	swait.ge [sflag:s13], $0x4000  }
0x51: {  	[sflag:s13] =	ssyncset.done $0x0  }
0x52: {  	[sflag:s13] =	ssyncadd.s32 $0xFFFFC000  }
0x53: {  	[hbm4b:s21+s15] =	stream.strided.scatter [tilespmem:s18], [sflag:$0x3], $0x4000, s16, s15, $0x38;
	[tilespmem:$0x10200] =	vst v63  }
0x54: {  	_ = 	snop  }
0x55: {  	[hbm4b:s23+s15] =	stream.strided.scatter [tilespmem:s20], [sflag:$0x3], $0x4000, s16, s15, $0x38;
	[tilespmem:$0x10200] =	vst v63  }
0x56: {  	_ =	swait.ge [sflag:s22], $0x4000  }
0x57: {  	[sflag:s22] =	ssyncset.done $0x0  }
0x58: {  	[sflag:s22] =	ssyncadd.s32 $0xFFFFC000  }
0x59: {  	_ =	swait.ge [sflag:s22], $0x4000  }
0x5a: {  	[sflag:s22] =	ssyncset.done $0x0  }
0x5b: {  	[sflag:s22] =	ssyncadd.s32 $0xFFFFC000  }
.Ltmp1:
0x5c: {  	_ =	swait.ge [sflag:s22], $0x4000;
	(pc) =	sbr.rel @p0 .LBB2_1-.Ltmp1, $4  }
0x5d: {  	[sflag:s22] =	ssyncset.done $0x0  }
0x5e: {  	[sflag:s22] =	ssyncadd.s32 $0xFFFFC000  }
0x5f: {  	_ =	swait.ge [sflag:s22], $0x4000  }
0x60: {  	[sflag:s22] =	ssyncset.done $0x0  }
.LBB2_2:
0x61: {  	[sflag:s22] =	ssyncadd.s32 $0xFFFFC000  }
0x62: {  	_ =	sfence.sel $0x180000  }
0x63: {  	[bflag:$0x0] =	sbarrier.arrive $0xFFFF  }
0x64: {  	p0 =	sne.s32 s0, $0x0;
	_ =	strace $0x90000047  }
0x65: {  	s0 =	sadd.s32 @!p0 $0x100000, s1;
	[bflag:$0x2] =	sbarrier.arrive $0xFFFF  }
0x66: {  	[sflag:s0] =	ssyncadd.tile.s32 @!p0 $0x1;
	_ =	shalt  }
.Lfunc_end2:
_tile_overlayer_lowered:
.L_overlay_start_2:
0x67: {  	(tag) =	ssettag $0x2  }
0x68: {  	s0 =	rddreg [dreg:$0x0];
	s2 =	stileid.u32  }
0x69: {  	s1 =	rddreg [dreg:$0x1];
	p0 =	sne.s32 s2, $0x0  }
0x6a: {  	s3 =	rddreg [dreg:$0x2];
	[bflag:$0x3] =	sbarrier.arrive $0xFFFF;
	s2 =	simm.s32 @!p0 $0x1C04  }
0x6b: {  	[timem:s3], [sflag:s2] =	dma.local @!p0 [hbm:s0], s1  }
0x6c: {  	s0 =	simm.s32 @!p0 $0x4  }
0x6d: {  	_ =	swait.ge @!p0 [sflag:s0], s1  }
0x6e: {  	s1 =	ssub.s32 @!p0 $0x0, s1;
	[sflag:s0] =	ssyncset.done @!p0 $0x0  }
0x6f: {  	[sflag:s0] =	ssyncadd.s32 @!p0 s1  }
0x70: {  	[bflag:$0x3] =	sbarrier.arrive $0xFFFF  }
0x71: {  	_ =	shalt  }

// kernel: kernel.9.cloned.1.call-start
scs
__scs_entry_jumppad:
0x0: {  	(pc) =	sbr.rel $0x88, $3  }
0x1: {  	(tag) =	ssettag $0x0;
	lr =	simm.s32 $0x1  }
0x2: {  	[smem:$0x3F97] =	sst lr;
	_ =	strace $0xD0000000  }
0x3: {  	_ = 	snop  }
0x4: {  	_ = 	snop  }
0x5: {  	_ = 	snop  }
0x6: {  	_ = 	snop  }
0x7: {  	_ = 	snop  }
__scs_overlays_trampoline_lowered:
0x8: {  	[smem:$0x3FA6] =	sst s0  }
0x9: {  	[smem:$0x3FA7] =	sst s1  }
0xa: {  	[smem:$0x3FA8] =	sst s2  }
0xb: {  	[smem:$0x3FA9] =	sst s3  }
0xc: {  	[smem:$0x3FAA] =	sst s4  }
0xd: {  	[smem:$0x3FAB] =	sst s5  }
0xe: {  	[smem:$0x3FAC] =	sst s6  }
0xf: {  	[smem:$0x3FAD] =	sst s7  }
0x10: {  	[smem:$0x3FAE] =	sst s8  }
0x11: {  	[smem:$0x3FAF] =	sst s9;
	s0 =	simm.s32 @!p0 $0x0  }
0x12: {  	s1 =	sld [smem:$0x3F95];
	s0 =	simm.s32 @p0 $0x1  }
0x13: {  	[smem:$0x3FB0] =	sst s0;
	s0 =	simm.s32 @!p1 $0x0  }
0x14: {  	s2 =	sld [smem:$0x3F94];
	s0 =	simm.s32 @p1 $0x1  }
0x15: {  	[smem:$0x3FB1] =	sst s0;
	s0 =	simm.s32 @!p2 $0x0  }
0x16: {  	s3 =	sld [smem:$0x3FDB];
	s0 =	simm.s32 @p2 $0x1  }
0x17: {  	s4 =	simm.s32 $0x1BF5;
	[smem:$0x3FB3] =	sst s0  }
0x18: {  	s0 =	sld [smem:$0x3F96];
	_ =	swait.ge [sflag:s4], $0x0  }
0x19: {  	s7 =	sld [smem:$0x3F97]  }
0x1a: {  	s8 =	sadd.s32 $0xFFFFE003, lr  }
0x1b: {  	s9 =	sadd.s32 $0xFFFFFEF7, lr;
	s5 =	simm.s32 $0xFFFFFFFF;
	p2 =	slt.u32 s8, $0xFFFFF086  }
0x1c: {  	p1 =	slt.u32 s9, $0xF7A;
	s5 =	simm.s32 @!p2 $0x0  }
0x1d: {  	s5 =	simm.s32 @p1 $0x1;
	p0 =	seq.s32 s7, s2  }
0x1e: {  	s7 =	smul.u32 @!p0 $0xF7A, s2;
	p2 =	seq.s32 @!p0 s5, $0x0  }
0x1f: {  	s9 =	smul.u32 $0xF7A, s1;
	s8 =	simm.s32 @!p0 $0x1BF5;
	p2 =	por !p2, p0  }
0x20: {  	[sflag:s8] =	ssyncset.s32 @!p0 $0xFFFFF086;
	s6 =	sadd.s32 @!p0 s3, s7;
	s7 =	simm.s32 @!p0 $0x108  }
0x21: {  	s3 =	sadd.s32 s3, s9;
	s6 =	sadd.s32 @!p0 $0x88, s6;
	s7 =	simm.s32 @p2 $0x1082  }
0x22: {  	[simem:s7], [sflag:s8] =	dma.local @!p0 [hbm:s6], $0xF7A  }
0x23: {  	s9 =	sor.u32 $0xD0000000, s2;
	s6 =	simm.s32 $0x108;
	_ =	swait.ge @!p0 [sflag:s8], $0x0  }
0x24: {  	s3 =	sadd.s32 $0x88, s3;
	s6 =	simm.s32 @!p1 $0x1082;
	[sflag:s4] =	ssyncset.s32 $0xFFFFF086  }
0x25: {  	[simem:s6], [sflag:s4] =	dma.local [hbm:s3], $0xF7A  }
0x26: {  	[smem:$0x3F97] =	sst s1;
	(tag) =	ssettag s2;
	_ =	strace s9  }
0x27: {  	s1 =	sld [smem:$0x3FA7]  }
0x28: {  	s2 =	sld [smem:$0x3FA8]  }
0x29: {  	s4 =	sld [smem:$0x3FAA]  }
0x2a: {  	p0 =	seq.s32 s5, $0x0;
	s5 =	sld [smem:$0x3FAB]  }
0x2b: {  	s6 =	sld [smem:$0x3FAC]  }
0x2c: {  	s7 =	sld [smem:$0x3FAD]  }
0x2d: {  	s3 =	simm.s32 $0x108;
	s8 =	sld [smem:$0x3FAE]  }
0x2e: {  	s3 =	simm.s32 @!p0 $0x1082;
	s9 =	sld [smem:$0x3FAF]  }
0x2f: {  	lr =	sadd.s32 s0, s3;
	s0 =	sld [smem:$0x3FA6]  }
0x30: {  	s3 =	sld [smem:$0x3FA9]  }
0x31: {  	[smem:$0x3FB2] =	sst s10  }
0x32: {  	s10 =	sld [smem:$0x3FB0];
	_ =	sdelay $0x3  }
0x33: {  	p0 =	seq.s32 s10, $0x1;
	s10 =	sld [smem:$0x3FB2];
	_ =	sdelay $0x3  }
0x34: {  	[smem:$0x3FB2] =	sst s10  }
0x35: {  	s10 =	sld [smem:$0x3FB1];
	_ =	sdelay $0x3  }
0x36: {  	p1 =	seq.s32 s10, $0x1;
	s10 =	sld [smem:$0x3FB2];
	_ =	sdelay $0x3  }
0x37: {  	[smem:$0x3FB2] =	sst s10  }
0x38: {  	s10 =	sld [smem:$0x3FB3]  }
0x39: {  	_ = 	snop;
	(pc) =	sbr.ind lr, $3  }
0x3a: {  	_ = 	snop  }
0x3b: {  	_ = 	snop  }
0x3c: {  	p2 =	seq.s32 s10, $0x1;
	s10 =	sld [smem:$0x3FB2]  }
0x3d: {  	_ =	shalt  }
0x3e: {  	_ =	shalt  }
0x3f: {  	_ =	shalt  }
0x40: {  	_ =	shalt  }
0x41: {  	_ =	shalt  }
0x42: {  	_ =	shalt  }
0x43: {  	_ =	shalt  }
0x44: {  	_ =	shalt  }
0x45: {  	_ =	shalt  }
0x46: {  	_ =	shalt  }
0x47: {  	_ =	shalt  }
0x48: {  	_ =	shalt  }
0x49: {  	_ =	shalt  }
0x4a: {  	_ =	shalt  }
0x4b: {  	_ =	shalt  }
0x4c: {  	_ =	shalt  }
0x4d: {  	_ =	shalt  }
0x4e: {  	_ =	shalt  }
0x4f: {  	_ =	shalt  }
0x50: {  	_ =	shalt  }
0x51: {  	_ =	shalt  }
0x52: {  	_ =	shalt  }
0x53: {  	_ =	shalt  }
0x54: {  	_ =	shalt  }
0x55: {  	_ =	shalt  }
0x56: {  	_ =	shalt  }
0x57: {  	_ =	shalt  }
0x58: {  	_ =	shalt  }
0x59: {  	_ =	shalt  }
0x5a: {  	_ =	shalt  }
0x5b: {  	_ =	shalt  }
0x5c: {  	_ =	shalt  }
0x5d: {  	_ =	shalt  }
0x5e: {  	_ =	shalt  }
0x5f: {  	_ =	shalt  }
0x60: {  	_ =	shalt  }
0x61: {  	_ =	shalt  }
0x62: {  	_ =	shalt  }
0x63: {  	_ =	shalt  }
0x64: {  	_ =	shalt  }
0x65: {  	_ =	shalt  }
0x66: {  	_ =	shalt  }
0x67: {  	_ =	shalt  }
0x68: {  	_ =	shalt  }
0x69: {  	_ =	shalt  }
0x6a: {  	_ =	shalt  }
0x6b: {  	_ =	shalt  }
0x6c: {  	_ =	shalt  }
0x6d: {  	_ =	shalt  }
0x6e: {  	_ =	shalt  }
0x6f: {  	_ =	shalt  }
0x70: {  	_ =	shalt  }
0x71: {  	_ =	shalt  }
0x72: {  	_ =	shalt  }
0x73: {  	_ =	shalt  }
0x74: {  	_ =	shalt  }
0x75: {  	_ =	shalt  }
0x76: {  	_ =	shalt  }
0x77: {  	_ =	shalt  }
0x78: {  	_ =	shalt  }
0x79: {  	_ =	shalt  }
0x7a: {  	_ =	shalt  }
0x7b: {  	_ =	shalt  }
0x7c: {  	_ =	shalt  }
0x7d: {  	_ =	shalt  }
0x7e: {  	_ =	shalt  }
0x7f: {  	_ =	shalt  }
0x80: {  	_ =	shalt  }
0x81: {  	_ =	shalt  }
0x82: {  	_ =	shalt  }
0x83: {  	_ =	shalt  }
0x84: {  	_ =	shalt  }
0x85: {  	_ =	shalt  }
0x86: {  	_ =	shalt  }
0x87: {  	_ =	shalt  }
.Lfunc_end0:
.L_simem_size_0:
called_computation.1_lowered:
.L_overlay_start_0:
0x88: {  	s2 =	sld [smem:$0x3FD9]  }
0x89: {  	s3 =	sld [smem:$0x3FFE];
	_ =	sdelay $0x1  }
0x8a: {  	s1 =	srdreg.scid  }
0x8b: {  	s0 =	sand.u32 $0x1, s1  }
0x8c: {  	s17 =	sshll.u32 s0, $0xA;
	s2 =	sadd.s32 s3, s2  }
0x8d: {  	s2 =	sadd.s32 s2, s17  }
0x8e: {  	[smem:$0x3FBE] =	sst s2  }
0x8f: {  	_ = 	snop  }
0x90: {  	(tm) =	ssettm $0x1  }
0x91: {  	s18 =	sld [smem:$0x3FFB];
	_ =	sdelay $0x3  }
0x92: {  	_ =	strace s18  }
0x93: {  	s2 =	sld [smem:$0x3FFC];
	_ =	sdelay $0x3  }
0x94: {  	_ =	strace s2  }
0x95: {  	s2 =	sld [smem:$0x3FFD];
	_ =	sdelay $0x3  }
0x96: {  	_ =	strace s2  }
0x97: {  	_ =	strace $0x8FFFFFFF  }
0x98: {  	s19 =	sld [smem:$0x3FDB];
	_ =	sdelay $0x1  }
0x99: {  	s20 =	simm.s32 $_scs_section_size  }
0x9a: {  	s4 =	simm.s32 $_size__tile_overlayer_lowered;
	s5 =	simm.s32 $_tile_overlayer_lowered  }
0x9b: {  	s6 =	simm.s32 $0x1BFF;
	s21 =	sshll.u32 s5, $0x1;
	s3 =	sadd.s32 s20, s19  }
0x9c: {  	s22 =	simm.s32 $0x0;
	s4 =	sshll.u32 s4, $0x1;
	s5 =	sadd.s32 s21, s3  }
0x9d: {  	[timem:s22], [sflag:s6] =	dma.local [hbm:s5], s4  }
0x9e: {  	_ =	swait.ge [sflag:s6], s4  }
0x9f: {  	s4 =	ssub.s32 $0x0, s4;
	[sflag:s6] =	ssyncset.done $0x0  }
0xa0: {  	[sflag:s6] =	ssyncadd.s32 s4;
	_ =	sdelay $0x1  }
0xa1: {  	s23 =	simm.s32 $0x1B8B  }
0xa2: {  	_ =	swait.ge [sflag:s23], $0x1  }
0xa3: {  	[sflag:s23] =	ssyncset.done $0x0  }
0xa4: {  	[sflag:s23] =	ssyncadd.s32 $0xFFFFFFFF  }
0xa5: {  	s4 =	sld [smem:$0x0]  }
0xa6: {  	s5 =	sand.u32 $0xFFFFFFFE, s1  }
0xa7: {  	p0 =	sne.s32 s1, s5  }
0xa8: {  	s5 =	sshll.u32 @p0 s5, $0xE  }
0xa9: {  	s5 =	sadd.s32 @p0 $0x11B8D, s5;
	s6 =	sshll.u32 @p0 s4, $0x11  }
0xaa: {  	s5 =	sor.u32 @p0 s6, s5  }
0xab: {  	[sflag:s5] =	ssyncadd.remote.s32 @p0 $0x1;
	_ =	sdelay $0x1  }
0xac: {  	s5 =	simm.s32 @p0 $0x1B8D  }
0xad: {  	_ =	swait.eq @p0 [sflag:s5], $0x1  }
0xae: {  	[sflag:s5] =	ssyncadd.s32 @p0 $0xFFFFFFFF  }
0xaf: {  	s6 =	sshll.u32 @!p0 s1, $0xE  }
0xb0: {  	s6 =	sor.u32 @!p0 $0x4000, s6;
	s5 =	simm.s32 @!p0 $0x1B8D  }
0xb1: {  	s4 =	sshll.u32 @!p0 s4, $0x11;
	s6 =	sadd.s32 @!p0 $0x11B8D, s6;
	_ =	swait.eq @!p0 [sflag:s5], $0x1  }
0xb2: {  	s4 =	sor.u32 @!p0 s4, s6;
	[sflag:s5] =	ssyncadd.s32 @!p0 $0xFFFFFFFF  }
0xb3: {  	s25 =	simm.s32 $0x1B8E;
	s24 =	sld [smem:$0x3FFE];
	[sflag:s4] =	ssyncadd.remote.s32 @!p0 $0x1  }
0xb4: {  	s26 =	simm.s32 $execute0_lowered;
	[smem:$0x3FD2] =	sst s25  }
0xb5: {  	s5 =	sshll.u32 s26, $0x1;
	_ =	strace $0x80000049;
	[dreg:$0x1] =	wrdreg $0xFFFFFFFF  }
0xb6: {  	s28 =	simm.s32 $_size_execute0_lowered;
	s3 =	sadd.s32 s3, s5;
	[dreg:$0x0] =	wrdreg $0x0  }
0xb7: {  	s5 =	sshll.u32 s28, $0x1;
	[dreg:$0x2] =	wrdreg s3  }
0xb8: {  	[dreg:$0x3] =	wrdreg s5  }
0xb9: {  	[dreg:$0x4] =	wrdreg $0xC0  }
0xba: {  	_ =	task [dreg:s22], $0x5FFFF  }
0xbb: {  	[dreg:$0x1] =	wrdreg $0xFFFFFFFF  }
0xbc: {  	[dreg:$0x0] =	wrdreg $0x60  }
0xbd: {  	[dreg:$0x2] =	wrdreg s24  }
0xbe: {  	[dreg:$0x3] =	wrdreg $0xA  }
0xbf: {  	_ =	task.clear_ibuf [dreg:s22], $0x4FFFF;
	_ =	strace $0x90000049  }
0xc0: {  	s29 =	simm.s32 $0xA;
	_ =	strace $0x8000004B  }
0xc1: {  	_ =	swait.ge [sflag:s29], $0x1  }
0xc2: {  	[sflag:s29] =	ssyncadd.s32 $0xFFFFFFFF  }
0xc3: {  	_ =	strace $0x9000004B  }
0xc4: {  	_ =	sfence  }
0xc5: {  	s30 =	sld [smem:$0x0];
	_ =	sdelay $0x2  }
0xc6: {  	s31 =	sshll.u32 s1, $0xD;
	s1 =	sshrl.u32 s1, $0x2  }
0xc7: {  	s4 =	sand.u32 $0x4000, s31;
	s1 =	sadd.s32 s1, s30  }
0xc8: {  	s0 =	sor.u32 s4, s0;
	s1 =	sshll.u32 s1, $0x11  }
0xc9: {  	s0 =	sor.u32 s1, s0  }
0xca: {  	s0 =	sadd.s32 $0x8F2B, s0  }
0xcb: {  	[sflag:s0] =	ssyncadd.remote.s32 $0x1  }
0xcc: {  	_ =	sfence.sel $0xFFFF  }
0xcd: {  	[dreg:$0x0] =	wrdreg $0xFFFFFFFF;
	(pc) =	sbr.abs _section_cstart, $3  }
0xce: {  	[dreg:$0x1] =	wrdreg $0xFFFFFFFF  }
0xcf: {  	_ =	task.clear_ibuf [dreg:s22], $0x2FFFF;
	_ =	strace $0x9FFFFFFF  }
0xd0: {  	(tm) =	ssettm $0x7FFFFFFF  }
0xd1: {  	_ =	shalt  }
tec
execute0_lowered:
.L_overlay_start_1:
0x0: {  	(tag) =	ssettag $0x1  }
0x1: {  	s1 =	srdreg.scid  }
0x2: {  	s0 =	stileid.u32;
	s24 =	sand.u32 $0x1, s1  }
0x3: {  	s31 =	sshll.u32 s0, $0x9;
	s2 =	sshll.u32 s24, $0x8  }
0x4: {  	s13 =	sor.u32 s2, s31  }
0x5: {  	s14 =	rddreg [dreg:$0x0];
	s2 =	simm.s32 $0x0;
	s3 =	sshrl.u32 s13, $0x3  }
0x6: {  	s4 =	simm.s32 $0x4;
	[smem:$0x7FF] =	sst s2;
	s5 =	sadd.s32 s3, s14  }
0x7: {  	s1 =	rddreg [dreg:$0x1];
	_ =	strace $0x8000004A;
	s3 =	sadd.s32 $0x18AE00, s5  }
0x8: {  	[tilespmem:s2], [sflag:$0x4] =	stream.linear.gather [hbm4b:s3+s2], $0x100, $0x38;
	[tilespmem:$0x10200] =	vst v63  }
0x9: {  	_ =	swait.ge [sflag:s4], $0x100  }
0xa: {  	[sflag:s4] =	ssyncset.done $0x0  }
0xb: {  	s6 =	simm.s32 $0x100;
	s5 =	sadd.s32 $0x18AA00, s5;
	[sflag:s4] =	ssyncadd.s32 $0xFFFFFF00  }
0xc: {  	[tilespmem:s6], [sflag:$0x4] =	stream.linear.gather [hbm4b:s5+s2], $0x100, $0x38;
	[tilespmem:$0x10200] =	vst v63  }
0xd: {  	_ =	swait.ge [sflag:s4], $0x100  }
0xe: {  	s8 =	simm.s32 $0x80;
	[sflag:s4] =	ssyncset.done $0x0  }
0xf: {  	s9 =	simm.s32 $0x200;
	s7 =	sadd.s32 $0x311000, s14;
	[sflag:s4] =	ssyncadd.s32 $0xFFFFFF00  }
0x10: {  	[tilespmem:s9], [sflag:$0x1] =	stream.indirect.gather [hbm4b:s7+s8], $0x80, s2, s8, $0xb8;
	[tilespmem:$0x10200] =	vst v63  }
0x11: {  	s11 =	simm.s32 $0x8200;
	s12 =	simm.s32 $0x1;
	s10 =	sadd.s32 $0x3C00, s14  }
0x12: {  	[tilespmem:s11], [sflag:$0x2] =	stream.indirect.gather [hbm4b:s10+s8], $0x80, s6, s8, $0xb8;
	[tilespmem:$0x10200] =	vst v63  }
0x13: {  	_ =	swait.ge [sflag:s12], $0x4000  }
0x14: {  	[sflag:s12] =	ssyncset.done $0x0  }
0x15: {  	s15 =	sshll.u32 s13, $0x5;
	s13 =	simm.s32 $0x2;
	[sflag:s12] =	ssyncadd.s32 $0xFFFFC000  }
0x16: {  	_ =	swait.ge [sflag:s13], $0x4000  }
0x17: {  	s16 =	simm.s32 $0x800;
	s22 =	sadd.s32 s15, s14;
	[sflag:s13] =	ssyncset.done $0x0  }
0x18: {  	s15 =	simm.s32 $0x400;
	s14 =	sadd.s32 $0x1CB200, s22;
	[sflag:s13] =	ssyncadd.s32 $0xFFFFC000  }
0x19: {  	[hbm4b:s14+s15] =	stream.strided.scatter [tilespmem:s9], [sflag:$0x3], $0x4000, s16, s15, $0x38;
	[tilespmem:$0x10200] =	vst v63  }
0x1a: {  	s17 =	sadd.s32 $0x1CB280, s22  }
0x1b: {  	[hbm4b:s17+s15] =	stream.strided.scatter [tilespmem:s11], [sflag:$0x3], $0x4000, s16, s15, $0x38;
	[tilespmem:$0x10200] =	vst v63  }
0x1c: {  	s18 =	simm.s32 $0x4200  }
0x1d: {  	[tilespmem:s18], [sflag:$0x1] =	stream.indirect.gather [hbm4b:s7+s8], $0x80, s8, s8, $0xb8;
	[tilespmem:$0x10200] =	vst v63  }
0x1e: {  	s19 =	simm.s32 $0x180;
	s20 =	simm.s32 $0xC200  }
0x1f: {  	[tilespmem:s20], [sflag:$0x2] =	stream.indirect.gather [hbm4b:s10+s8], $0x80, s19, s8, $0xb8;
	[tilespmem:$0x10200] =	vst v63  }
0x20: {  	_ =	swait.ge [sflag:s12], $0x4000  }
0x21: {  	[sflag:s12] =	ssyncset.done $0x0  }
0x22: {  	[sflag:s12] =	ssyncadd.s32 $0xFFFFC000  }
0x23: {  	_ =	swait.ge [sflag:s13], $0x4000  }
0x24: {  	[sflag:s13] =	ssyncset.done $0x0  }
0x25: {  	s21 =	sadd.s32 $0x1CC200, s22;
	[sflag:s13] =	ssyncadd.s32 $0xFFFFC000  }
0x26: {  	[hbm4b:s21+s15] =	stream.strided.scatter [tilespmem:s18], [sflag:$0x3], $0x4000, s16, s15, $0x38;
	[tilespmem:$0x10200] =	vst v63  }
0x27: {  	s23 =	sadd.s32 $0x1CC280, s22;
	s22 =	simm.s32 $0x3  }
0x28: {  	[hbm4b:s23+s15] =	stream.strided.scatter [tilespmem:s20], [sflag:$0x3], $0x4000, s16, s15, $0x38;
	[tilespmem:$0x10200] =	vst v63  }
0x29: {  	_ =	swait.ge [sflag:s22], $0x4000  }
0x2a: {  	s24 =	ssub.s32 $0x2, s24;
	[sflag:s22] =	ssyncset.done $0x0  }
0x2b: {  	s25 =	sshrl.u32 s24, $0x1;
	[sflag:s22] =	ssyncadd.s32 $0xFFFFC000  }
0x2c: {  	s24 =	ssub.s32 s24, s25;
	_ =	swait.ge [sflag:s22], $0x4000  }
0x2d: {  	s24 =	smax.u32 s24, $0x1;
	[sflag:s22] =	ssyncset.done $0x0  }
0x2e: {  	p0 =	sne.s32 s24, $0x1;
	[sflag:s22] =	ssyncadd.s32 $0xFFFFC000  }
.Ltmp0:
0x2f: {  	_ =	swait.ge [sflag:s22], $0x4000;
	(pc) =	sbr.rel @!p0 .LBB2_2-.Ltmp0, $4  }
0x30: {  	[sflag:s22] =	ssyncset.done $0x0  }
0x31: {  	[sflag:s22] =	ssyncadd.s32 $0xFFFFC000  }
0x32: {  	_ =	swait.ge [sflag:s22], $0x4000  }
0x33: {  	s24 =	sadd.s32 $0xFFFFFFFF, s24;
	[sflag:s22] =	ssyncset.done $0x0  }
.LBB2_1:
0x34: {  	p0 =	sne.s32 s24, $0x1;
	s24 =	sadd.s32 $0xFFFFFFFF, s24;
	[sflag:s22] =	ssyncadd.s32 $0xFFFFC000  }
0x35: {  	[tilespmem:s2], [sflag:$0x4] =	stream.linear.gather [hbm4b:s3+s2], $0x100, $0x38;
	[tilespmem:$0x10200] =	vst v63  }
0x36: {  	_ =	swait.ge [sflag:s4], $0x100  }
0x37: {  	[sflag:s4] =	ssyncset.done $0x0  }
0x38: {  	[sflag:s4] =	ssyncadd.s32 $0xFFFFFF00  }
0x39: {  	[tilespmem:s6], [sflag:$0x4] =	stream.linear.gather [hbm4b:s5+s2], $0x100, $0x38;
	[tilespmem:$0x10200] =	vst v63  }
0x3a: {  	_ =	swait.ge [sflag:s4], $0x100  }
0x3b: {  	[sflag:s4] =	ssyncset.done $0x0  }
0x3c: {  	[sflag:s4] =	ssyncadd.s32 $0xFFFFFF00  }
0x3d: {  	[tilespmem:s9], [sflag:$0x1] =	stream.indirect.gather [hbm4b:s7+s8], $0x80, s2, s8, $0xb8;
	[tilespmem:$0x10200] =	vst v63  }
0x3e: {  	_ = 	snop  }
0x3f: {  	[tilespmem:s11], [sflag:$0x2] =	stream.indirect.gather [hbm4b:s10+s8], $0x80, s6, s8, $0xb8;
	[tilespmem:$0x10200] =	vst v63  }
0x40: {  	_ =	swait.ge [sflag:s12], $0x4000  }
0x41: {  	[sflag:s12] =	ssyncset.done $0x0  }
0x42: {  	[sflag:s12] =	ssyncadd.s32 $0xFFFFC000  }
0x43: {  	_ =	swait.ge [sflag:s13], $0x4000  }
0x44: {  	[sflag:s13] =	ssyncset.done $0x0  }
0x45: {  	[sflag:s13] =	ssyncadd.s32 $0xFFFFC000  }
0x46: {  	[hbm4b:s14+s15] =	stream.strided.scatter [tilespmem:s9], [sflag:$0x3], $0x4000, s16, s15, $0x38;
	[tilespmem:$0x10200] =	vst v63  }
0x47: {  	_ = 	snop  }
0x48: {  	[hbm4b:s17+s15] =	stream.strided.scatter [tilespmem:s11], [sflag:$0x3], $0x4000, s16, s15, $0x38;
	[tilespmem:$0x10200] =	vst v63  }
0x49: {  	_ = 	snop  }
0x4a: {  	[tilespmem:s18], [sflag:$0x1] =	stream.indirect.gather [hbm4b:s7+s8], $0x80, s8, s8, $0xb8;
	[tilespmem:$0x10200] =	vst v63  }
0x4b: {  	_ = 	snop  }
0x4c: {  	[tilespmem:s20], [sflag:$0x2] =	stream.indirect.gather [hbm4b:s10+s8], $0x80, s19, s8, $0xb8;
	[tilespmem:$0x10200] =	vst v63  }
0x4d: {  	_ =	swait.ge [sflag:s12], $0x4000  }
0x4e: {  	[sflag:s12] =	ssyncset.done $0x0  }
0x4f: {  	[sflag:s12] =	ssyncadd.s32 $0xFFFFC000  }
0x50: {  	_ =	swait.ge [sflag:s13], $0x4000  }
0x51: {  	[sflag:s13] =	ssyncset.done $0x0  }
0x52: {  	[sflag:s13] =	ssyncadd.s32 $0xFFFFC000  }
0x53: {  	[hbm4b:s21+s15] =	stream.strided.scatter [tilespmem:s18], [sflag:$0x3], $0x4000, s16, s15, $0x38;
	[tilespmem:$0x10200] =	vst v63  }
0x54: {  	_ = 	snop  }
0x55: {  	[hbm4b:s23+s15] =	stream.strided.scatter [tilespmem:s20], [sflag:$0x3], $0x4000, s16, s15, $0x38;
	[tilespmem:$0x10200] =	vst v63  }
0x56: {  	_ =	swait.ge [sflag:s22], $0x4000  }
0x57: {  	[sflag:s22] =	ssyncset.done $0x0  }
0x58: {  	[sflag:s22] =	ssyncadd.s32 $0xFFFFC000  }
0x59: {  	_ =	swait.ge [sflag:s22], $0x4000  }
0x5a: {  	[sflag:s22] =	ssyncset.done $0x0  }
0x5b: {  	[sflag:s22] =	ssyncadd.s32 $0xFFFFC000  }
.Ltmp1:
0x5c: {  	_ =	swait.ge [sflag:s22], $0x4000;
	(pc) =	sbr.rel @p0 .LBB2_1-.Ltmp1, $4  }
0x5d: {  	[sflag:s22] =	ssyncset.done $0x0  }
0x5e: {  	[sflag:s22] =	ssyncadd.s32 $0xFFFFC000  }
0x5f: {  	_ =	swait.ge [sflag:s22], $0x4000  }
0x60: {  	[sflag:s22] =	ssyncset.done $0x0  }
.LBB2_2:
0x61: {  	[sflag:s22] =	ssyncadd.s32 $0xFFFFC000  }
0x62: {  	_ =	sfence.sel $0x180000  }
0x63: {  	[bflag:$0x0] =	sbarrier.arrive $0xFFFF  }
0x64: {  	p0 =	sne.s32 s0, $0x0;
	_ =	strace $0x9000004A  }
0x65: {  	s0 =	sadd.s32 @!p0 $0x100000, s1;
	[bflag:$0x2] =	sbarrier.arrive $0xFFFF  }
0x66: {  	[sflag:s0] =	ssyncadd.tile.s32 @!p0 $0x1;
	_ =	shalt  }
.Lfunc_end2:
_tile_overlayer_lowered:
.L_overlay_start_2:
0x67: {  	(tag) =	ssettag $0x2  }
0x68: {  	s0 =	rddreg [dreg:$0x0];
	s2 =	stileid.u32  }
0x69: {  	s1 =	rddreg [dreg:$0x1];
	p0 =	sne.s32 s2, $0x0  }
0x6a: {  	s3 =	rddreg [dreg:$0x2];
	[bflag:$0x3] =	sbarrier.arrive $0xFFFF;
	s2 =	simm.s32 @!p0 $0x1C04  }
0x6b: {  	[timem:s3], [sflag:s2] =	dma.local @!p0 [hbm:s0], s1  }
0x6c: {  	s0 =	simm.s32 @!p0 $0x4  }
0x6d: {  	_ =	swait.ge @!p0 [sflag:s0], s1  }
0x6e: {  	s1 =	ssub.s32 @!p0 $0x0, s1;
	[sflag:s0] =	ssyncset.done @!p0 $0x0  }
0x6f: {  	[sflag:s0] =	ssyncadd.s32 @!p0 s1  }
0x70: {  	[bflag:$0x3] =	sbarrier.arrive $0xFFFF  }
0x71: {  	_ =	shalt  }

</sc_bundles>
